<compile_context>
chip_gen: v7x
topology: tpu7x:2x2x1
jax: 0.10.2.dev20260603
libtpu: 0.0.44.dev20260713+nightly
codegen_flags: <defaults>
</compile_context>

<pallas_src>
import functools

import jax
import jax.numpy as jnp
from jax import lax
from jax.experimental import pallas as pl
from jax.experimental.pallas import tpu as pltpu
from jax.experimental.pallas import tpu_sc as plsc

B = 16384
D = 32
NC = 2
NS = 16
NW = NC * NS
BPW = B // NW
CHUNK = 128
NCH = BPW // CHUNK

_mesh = plsc.VectorSubcoreMesh(core_axis_name="c", subcore_axis_name="s")
_params = pltpu.CompilerParams(
    needs_layout_passes=False, use_tc_tiling_on_sc=False)


@functools.partial(
    pl.kernel,
    mesh=_mesh,
    out_type=[jax.ShapeDtypeStruct((B, D), jnp.float32),
              jax.ShapeDtypeStruct((B,), jnp.float32)],
    compiler_params=_params,
    scratch_types=[
        pltpu.VMEM((NCH, CHUNK), jnp.int32),
        pltpu.VMEM((BPW, D), jnp.float32),
        pltpu.VMEM((BPW,), jnp.float32),
        pltpu.SemaphoreType.DMA,
    ],
)
def _gather_one(idx_hbm, table_hbm, bias_hbm, rows_out, bias_out,
                idx_v, rows_v, bias_v, sem):
    wid = lax.axis_index("s") * NC + lax.axis_index("c")
    base = wid * BPW

    pltpu.sync_copy(idx_hbm.at[pl.ds(wid * NCH, NCH)], idx_v)
    copies = []
    for j in range(NCH):
        dst = pl.ds(j * CHUNK, CHUNK)
        copies.append(pltpu.async_copy(
            table_hbm.at[idx_v.at[j]], rows_v.at[dst], sem))
        copies.append(pltpu.async_copy(
            bias_hbm.at[idx_v.at[j]], bias_v.at[dst], sem))
    for c in copies:
        c.wait()

    pltpu.sync_copy(rows_v, rows_out.at[pl.ds(base, BPW)])
    pltpu.sync_copy(bias_v, bias_out.at[pl.ds(base, BPW)])


@functools.partial(
    pl.kernel,
    mesh=_mesh,
    out_type=jax.ShapeDtypeStruct((B,), jnp.float32),
    compiler_params=_params,
    scratch_types=[
        pltpu.VMEM((BPW, D), jnp.float32),
        pltpu.VMEM((BPW, D), jnp.float32),
        pltpu.VMEM((BPW,), jnp.float32),
        pltpu.VMEM((BPW,), jnp.float32),
        pltpu.VMEM((BPW,), jnp.float32),
    ],
)
def _combine(u_hbm, v_hbm, bu_hbm, bi_hbm, out_hbm,
             u_v, v_v, bu_v, bi_v, out_v):
    wid = lax.axis_index("s") * NC + lax.axis_index("c")
    base = wid * BPW

    pltpu.sync_copy(u_hbm.at[pl.ds(base, BPW)], u_v)
    pltpu.sync_copy(v_hbm.at[pl.ds(base, BPW)], v_v)
    pltpu.sync_copy(bu_hbm.at[pl.ds(base, BPW)], bu_v)
    pltpu.sync_copy(bi_hbm.at[pl.ds(base, BPW)], bi_v)

    def body(i, carry):
        r0 = i * 16
        rows = r0 + lax.iota(jnp.int32, 16)
        acc = bu_v[pl.ds(r0, 16)] + bi_v[pl.ds(r0, 16)]
        for d in range(D):
            dd = jnp.full((16,), d, jnp.int32)
            acc = acc + (plsc.load_gather(u_v, [rows, dd])
                         * plsc.load_gather(v_v, [rows, dd]))
        out_v[pl.ds(r0, 16)] = acc
        return carry

    lax.fori_loop(0, BPW // 16, body, 0)
    pltpu.sync_copy(out_v, out_hbm.at[pl.ds(base, BPW)])


def kernel(users, items, user_emb, item_emb, user_bias, item_bias):
    users2 = users.astype(jnp.int32).reshape(B // CHUNK, CHUNK)
    items2 = items.astype(jnp.int32).reshape(B // CHUNK, CHUNK)
    u_rows, bu = _gather_one(users2, user_emb, user_bias.reshape(-1))
    v_rows, bi = _gather_one(items2, item_emb, item_bias.reshape(-1))
    return _combine(u_rows, v_rows, bu, bi)

# --- scband reference (transcript-rebuilt; emitter-appended) ---
"""Pipeline reference for scband-matrix-factorization-274877907789 (READ-ONLY COPY).

The authoritative reference and input builder live on the scoring server;
editing this copy changes nothing except your own understanding.
"""

import jax, jax.numpy as jnp
import numpy as np

NUM_USERS = 1000000
NUM_ITEMS = 1000000
EMBED_DIM = 32
BATCH = 16384


def setup_inputs(seed: int = 0) -> dict:
    key = jax.random.key(seed)
    k_users, k_items, k_ue, k_ie, k_ub, k_ib = jax.random.split(key, 6)
    users = jax.random.randint(k_users, (BATCH,), 0, NUM_USERS, dtype=jnp.int64 if jax.config.jax_enable_x64 else jnp.int32)
    items = jax.random.randint(k_items, (BATCH,), 0, NUM_ITEMS, dtype=jnp.int64 if jax.config.jax_enable_x64 else jnp.int32)
    user_emb = jax.random.normal(k_ue, (NUM_USERS, EMBED_DIM), dtype=jnp.float32)
    item_emb = jax.random.normal(k_ie, (NUM_ITEMS, EMBED_DIM), dtype=jnp.float32)
    user_bias = jax.random.normal(k_ub, (NUM_USERS, 1), dtype=jnp.float32)
    item_bias = jax.random.normal(k_ib, (NUM_ITEMS, 1), dtype=jnp.float32)
    return {
        "users": users,
        "items": items,
        "user_emb": user_emb,
        "item_emb": item_emb,
        "user_bias": user_bias,
        "item_bias": item_bias,
    }


def reference(users, items, user_emb, item_emb, user_bias, item_bias):
    # Embedding lookups (gathers)
    u = jnp.take(user_emb, users, axis=0)          # [B, D]
    v = jnp.take(item_emb, items, axis=0)          # [B, D]
    dot = (u * v).sum(axis=1)                      # [B]
    bu = jnp.take(user_bias, users, axis=0).squeeze(-1)  # [B]
    bi = jnp.take(item_bias, items, axis=0).squeeze(-1)  # [B]
    return dot + bu + bi

if __name__ == "__main__":
    import jax
    _d = setup_inputs()
    print(jax.jit(kernel)(*tuple(_d.values())))

</pallas_src>

<mosaic_0001>
#map = affine_map<(d0, d1) -> (0, 0)>
#map1 = affine_map<(d0, d1) -> (0)>
module attributes {stable_mosaic.version = 14 : i64} {
  func.func @_gather_one(%arg0: i32, %arg1: i32, %arg2: memref<128x128xi32, #tpu.memory_space<hbm>>, %arg3: memref<1000000x32xf32, #tpu.memory_space<hbm>>, %arg4: memref<1000000xf32, #tpu.memory_space<hbm>>, %arg5: memref<16384x32xf32, #tpu.memory_space<hbm>>, %arg6: memref<16384xf32, #tpu.memory_space<hbm>>, %arg7: memref<4x128xi32, #tpu.memory_space<vmem>>, %arg8: memref<512x32xf32, #tpu.memory_space<vmem>>, %arg9: memref<512xf32, #tpu.memory_space<vmem>>, %arg10: memref<!tpu.dma_semaphore, #tpu.memory_space<semaphore_mem>>) attributes {dimension_semantics = [#tpu.dimension_semantics<core_parallel>, #tpu.dimension_semantics<subcore_parallel>], iteration_bounds = array<i64: 2, 16>, scalar_prefetch = 0 : i64, scratch_operands = 4 : i64, tpu.core_type = #tpu.core_type<sc_vector_subcore>, window_params = [{transform_indices = #map}, {transform_indices = #map}, {transform_indices = #map1}, {transform_indices = #map}, {transform_indices = #map1}]} {
    %mul3A = arith.constant 2 : i32
    %mul3A_0 = arith.muli %arg1, %mul3A : i32
    %add3A = arith.addi %mul3A_0, %arg0 : i32
    %mul3A_1 = arith.constant 512 : i32
    %mul3A_2 = arith.muli %add3A, %mul3A_1 : i32
    %mul3A_3 = arith.constant 4 : i32
    %mul3A_4 = arith.muli %add3A, %mul3A_3 : i32
    "tpu.region"() ({
      %run_scoped3A = tpu.sem_alloc : memref<!tpu.dma_semaphore, #tpu.memory_space<semaphore_mem>>
      %dma_start3A_147 = arith.constant 0 : i32
      %dma_start3A_148 = tpu.memref_slice %arg2[%mul3A_4, %dma_start3A_147] : memref<128x128xi32, #tpu.memory_space<hbm>> -> memref<4x128xi32, #tpu.memory_space<hbm>>
      %dma_start3A_149 = arith.constant 0 : i32
      %dma_start3A_150 = tpu.memref_slice %arg2[%mul3A_4, %dma_start3A_149] : memref<128x128xi32, #tpu.memory_space<hbm>> -> memref<4x128xi32, #tpu.memory_space<hbm>>
      tpu.enqueue_dma source(%dma_start3A_150 : memref<4x128xi32, #tpu.memory_space<hbm>>) target(%arg7 : memref<4x128xi32, #tpu.memory_space<vmem>>) target_semaphore(%run_scoped3A : memref<!tpu.dma_semaphore, #tpu.memory_space<semaphore_mem>>)
      %dma_wait3A_151 = arith.constant 0 : i32
      %dma_wait3A_152 = tpu.memref_slice %arg2[%mul3A_4, %dma_wait3A_151] : memref<128x128xi32, #tpu.memory_space<hbm>> -> memref<4x128xi32, #tpu.memory_space<hbm>>
      %dma_wait3A_153 = arith.constant 0 : i32
      %dma_wait3A_154 = tpu.memref_slice %arg2[%mul3A_4, %dma_wait3A_153] : memref<128x128xi32, #tpu.memory_space<hbm>> -> memref<4x128xi32, #tpu.memory_space<hbm>>
      tpu.wait_dma2 semaphore(%run_scoped3A : memref<!tpu.dma_semaphore, #tpu.memory_space<semaphore_mem>>) src(%dma_wait3A_154 : memref<4x128xi32, #tpu.memory_space<hbm>>) dst(%arg7 : memref<4x128xi32, #tpu.memory_space<vmem>>)
      tpu.yield
    }) : () -> ()
    %dma_start3A = arith.constant 0 : i32
    %dma_start3A_5 = arith.constant 0 : i32
    %dma_start3A_6 = arith.constant 0 : i32
    %dma_start3A_7 = tpu.memref_slice %arg8[%dma_start3A_5, %dma_start3A_6] : memref<512x32xf32, #tpu.memory_space<vmem>> -> memref<128x32xf32, #tpu.memory_space<vmem>>
    %dma_start3A_8 = arith.constant 0 : i32
    %dma_start3A_9 = tpu.memref_slice %arg7[%dma_start3A, %dma_start3A_8] : memref<4x128xi32, #tpu.memory_space<vmem>> -> memref<1x128xi32, #tpu.memory_space<vmem>>
    %dma_start3A_10 = tpu.memref_squeeze %dma_start3A_9 : memref<1x128xi32, #tpu.memory_space<vmem>> -> memref<128xi32, #tpu.memory_space<vmem>>
    %dma_start3A_11 = arith.constant 0 : i32
    %dma_start3A_12 = arith.constant 0 : i32
    %dma_start3A_13 = tpu.memref_slice %arg3[%dma_start3A_11, %dma_start3A_12] : memref<1000000x32xf32, #tpu.memory_space<hbm>> -> memref<1000000x32xf32, #tpu.memory_space<hbm>>
    tpu.enqueue_indirect_dma source(%dma_start3A_13 : memref<1000000x32xf32, #tpu.memory_space<hbm>>) target(%dma_start3A_7 : memref<128x32xf32, #tpu.memory_space<vmem>>) offsets(%dma_start3A_10 : memref<128xi32, #tpu.memory_space<vmem>>) semaphore(%arg10 : memref<!tpu.dma_semaphore, #tpu.memory_space<semaphore_mem>>)
    %dma_start3A_14 = arith.constant 0 : i32
    %dma_start3A_15 = arith.constant 0 : i32
    %dma_start3A_16 = tpu.memref_slice %arg9[%dma_start3A_15] : memref<512xf32, #tpu.memory_space<vmem>> -> memref<128xf32, #tpu.memory_space<vmem>>
    %dma_start3A_17 = arith.constant 0 : i32
    %dma_start3A_18 = tpu.memref_slice %arg7[%dma_start3A_14, %dma_start3A_17] : memref<4x128xi32, #tpu.memory_space<vmem>> -> memref<1x128xi32, #tpu.memory_space<vmem>>
    %dma_start3A_19 = tpu.memref_squeeze %dma_start3A_18 : memref<1x128xi32, #tpu.memory_space<vmem>> -> memref<128xi32, #tpu.memory_space<vmem>>
    %dma_start3A_20 = arith.constant 0 : i32
    %dma_start3A_21 = tpu.memref_slice %arg4[%dma_start3A_20] : memref<1000000xf32, #tpu.memory_space<hbm>> -> memref<1000000xf32, #tpu.memory_space<hbm>>
    tpu.enqueue_indirect_dma source(%dma_start3A_21 : memref<1000000xf32, #tpu.memory_space<hbm>>) target(%dma_start3A_16 : memref<128xf32, #tpu.memory_space<vmem>>) offsets(%dma_start3A_19 : memref<128xi32, #tpu.memory_space<vmem>>) semaphore(%arg10 : memref<!tpu.dma_semaphore, #tpu.memory_space<semaphore_mem>>)
    %dma_start3A_22 = arith.constant 1 : i32
    %dma_start3A_23 = arith.constant 128 : i32
    %dma_start3A_24 = arith.constant 0 : i32
    %dma_start3A_25 = tpu.memref_slice %arg8[%dma_start3A_23, %dma_start3A_24] : memref<512x32xf32, #tpu.memory_space<vmem>> -> memref<128x32xf32, #tpu.memory_space<vmem>>
    %dma_start3A_26 = arith.constant 0 : i32
    %dma_start3A_27 = tpu.memref_slice %arg7[%dma_start3A_22, %dma_start3A_26] : memref<4x128xi32, #tpu.memory_space<vmem>> -> memref<1x128xi32, #tpu.memory_space<vmem>>
    %dma_start3A_28 = tpu.memref_squeeze %dma_start3A_27 : memref<1x128xi32, #tpu.memory_space<vmem>> -> memref<128xi32, #tpu.memory_space<vmem>>
    %dma_start3A_29 = arith.constant 0 : i32
    %dma_start3A_30 = arith.constant 0 : i32
    %dma_start3A_31 = tpu.memref_slice %arg3[%dma_start3A_29, %dma_start3A_30] : memref<1000000x32xf32, #tpu.memory_space<hbm>> -> memref<1000000x32xf32, #tpu.memory_space<hbm>>
    tpu.enqueue_indirect_dma source(%dma_start3A_31 : memref<1000000x32xf32, #tpu.memory_space<hbm>>) target(%dma_start3A_25 : memref<128x32xf32, #tpu.memory_space<vmem>>) offsets(%dma_start3A_28 : memref<128xi32, #tpu.memory_space<vmem>>) semaphore(%arg10 : memref<!tpu.dma_semaphore, #tpu.memory_space<semaphore_mem>>)
    %dma_start3A_32 = arith.constant 1 : i32
    %dma_start3A_33 = arith.constant 128 : i32
    %dma_start3A_34 = tpu.memref_slice %arg9[%dma_start3A_33] : memref<512xf32, #tpu.memory_space<vmem>> -> memref<128xf32, #tpu.memory_space<vmem>>
    %dma_start3A_35 = arith.constant 0 : i32
    %dma_start3A_36 = tpu.memref_slice %arg7[%dma_start3A_32, %dma_start3A_35] : memref<4x128xi32, #tpu.memory_space<vmem>> -> memref<1x128xi32, #tpu.memory_space<vmem>>
    %dma_start3A_37 = tpu.memref_squeeze %dma_start3A_36 : memref<1x128xi32, #tpu.memory_space<vmem>> -> memref<128xi32, #tpu.memory_space<vmem>>
    %dma_start3A_38 = arith.constant 0 : i32
    %dma_start3A_39 = tpu.memref_slice %arg4[%dma_start3A_38] : memref<1000000xf32, #tpu.memory_space<hbm>> -> memref<1000000xf32, #tpu.memory_space<hbm>>
    tpu.enqueue_indirect_dma source(%dma_start3A_39 : memref<1000000xf32, #tpu.memory_space<hbm>>) target(%dma_start3A_34 : memref<128xf32, #tpu.memory_space<vmem>>) offsets(%dma_start3A_37 : memref<128xi32, #tpu.memory_space<vmem>>) semaphore(%arg10 : memref<!tpu.dma_semaphore, #tpu.memory_space<semaphore_mem>>)
    %dma_start3A_40 = arith.constant 2 : i32
    %dma_start3A_41 = arith.constant 256 : i32
    %dma_start3A_42 = arith.constant 0 : i32
    %dma_start3A_43 = tpu.memref_slice %arg8[%dma_start3A_41, %dma_start3A_42] : memref<512x32xf32, #tpu.memory_space<vmem>> -> memref<128x32xf32, #tpu.memory_space<vmem>>
    %dma_start3A_44 = arith.constant 0 : i32
    %dma_start3A_45 = tpu.memref_slice %arg7[%dma_start3A_40, %dma_start3A_44] : memref<4x128xi32, #tpu.memory_space<vmem>> -> memref<1x128xi32, #tpu.memory_space<vmem>>
    %dma_start3A_46 = tpu.memref_squeeze %dma_start3A_45 : memref<1x128xi32, #tpu.memory_space<vmem>> -> memref<128xi32, #tpu.memory_space<vmem>>
    %dma_start3A_47 = arith.constant 0 : i32
    %dma_start3A_48 = arith.constant 0 : i32
    %dma_start3A_49 = tpu.memref_slice %arg3[%dma_start3A_47, %dma_start3A_48] : memref<1000000x32xf32, #tpu.memory_space<hbm>> -> memref<1000000x32xf32, #tpu.memory_space<hbm>>
    tpu.enqueue_indirect_dma source(%dma_start3A_49 : memref<1000000x32xf32, #tpu.memory_space<hbm>>) target(%dma_start3A_43 : memref<128x32xf32, #tpu.memory_space<vmem>>) offsets(%dma_start3A_46 : memref<128xi32, #tpu.memory_space<vmem>>) semaphore(%arg10 : memref<!tpu.dma_semaphore, #tpu.memory_space<semaphore_mem>>)
    %dma_start3A_50 = arith.constant 2 : i32
    %dma_start3A_51 = arith.constant 256 : i32
    %dma_start3A_52 = tpu.memref_slice %arg9[%dma_start3A_51] : memref<512xf32, #tpu.memory_space<vmem>> -> memref<128xf32, #tpu.memory_space<vmem>>
    %dma_start3A_53 = arith.constant 0 : i32
    %dma_start3A_54 = tpu.memref_slice %arg7[%dma_start3A_50, %dma_start3A_53] : memref<4x128xi32, #tpu.memory_space<vmem>> -> memref<1x128xi32, #tpu.memory_space<vmem>>
    %dma_start3A_55 = tpu.memref_squeeze %dma_start3A_54 : memref<1x128xi32, #tpu.memory_space<vmem>> -> memref<128xi32, #tpu.memory_space<vmem>>
    %dma_start3A_56 = arith.constant 0 : i32
    %dma_start3A_57 = tpu.memref_slice %arg4[%dma_start3A_56] : memref<1000000xf32, #tpu.memory_space<hbm>> -> memref<1000000xf32, #tpu.memory_space<hbm>>
    tpu.enqueue_indirect_dma source(%dma_start3A_57 : memref<1000000xf32, #tpu.memory_space<hbm>>) target(%dma_start3A_52 : memref<128xf32, #tpu.memory_space<vmem>>) offsets(%dma_start3A_55 : memref<128xi32, #tpu.memory_space<vmem>>) semaphore(%arg10 : memref<!tpu.dma_semaphore, #tpu.memory_space<semaphore_mem>>)
    %dma_start3A_58 = arith.constant 3 : i32
    %dma_start3A_59 = arith.constant 384 : i32
    %dma_start3A_60 = arith.constant 0 : i32
    %dma_start3A_61 = tpu.memref_slice %arg8[%dma_start3A_59, %dma_start3A_60] : memref<512x32xf32, #tpu.memory_space<vmem>> -> memref<128x32xf32, #tpu.memory_space<vmem>>
    %dma_start3A_62 = arith.constant 0 : i32
    %dma_start3A_63 = tpu.memref_slice %arg7[%dma_start3A_58, %dma_start3A_62] : memref<4x128xi32, #tpu.memory_space<vmem>> -> memref<1x128xi32, #tpu.memory_space<vmem>>
    %dma_start3A_64 = tpu.memref_squeeze %dma_start3A_63 : memref<1x128xi32, #tpu.memory_space<vmem>> -> memref<128xi32, #tpu.memory_space<vmem>>
    %dma_start3A_65 = arith.constant 0 : i32
    %dma_start3A_66 = arith.constant 0 : i32
    %dma_start3A_67 = tpu.memref_slice %arg3[%dma_start3A_65, %dma_start3A_66] : memref<1000000x32xf32, #tpu.memory_space<hbm>> -> memref<1000000x32xf32, #tpu.memory_space<hbm>>
    tpu.enqueue_indirect_dma source(%dma_start3A_67 : memref<1000000x32xf32, #tpu.memory_space<hbm>>) target(%dma_start3A_61 : memref<128x32xf32, #tpu.memory_space<vmem>>) offsets(%dma_start3A_64 : memref<128xi32, #tpu.memory_space<vmem>>) semaphore(%arg10 : memref<!tpu.dma_semaphore, #tpu.memory_space<semaphore_mem>>)
    %dma_start3A_68 = arith.constant 3 : i32
    %dma_start3A_69 = arith.constant 384 : i32
    %dma_start3A_70 = tpu.memref_slice %arg9[%dma_start3A_69] : memref<512xf32, #tpu.memory_space<vmem>> -> memref<128xf32, #tpu.memory_space<vmem>>
    %dma_start3A_71 = arith.constant 0 : i32
    %dma_start3A_72 = tpu.memref_slice %arg7[%dma_start3A_68, %dma_start3A_71] : memref<4x128xi32, #tpu.memory_space<vmem>> -> memref<1x128xi32, #tpu.memory_space<vmem>>
    %dma_start3A_73 = tpu.memref_squeeze %dma_start3A_72 : memref<1x128xi32, #tpu.memory_space<vmem>> -> memref<128xi32, #tpu.memory_space<vmem>>
    %dma_start3A_74 = arith.constant 0 : i32
    %dma_start3A_75 = tpu.memref_slice %arg4[%dma_start3A_74] : memref<1000000xf32, #tpu.memory_space<hbm>> -> memref<1000000xf32, #tpu.memory_space<hbm>>
    tpu.enqueue_indirect_dma source(%dma_start3A_75 : memref<1000000xf32, #tpu.memory_space<hbm>>) target(%dma_start3A_70 : memref<128xf32, #tpu.memory_space<vmem>>) offsets(%dma_start3A_73 : memref<128xi32, #tpu.memory_space<vmem>>) semaphore(%arg10 : memref<!tpu.dma_semaphore, #tpu.memory_space<semaphore_mem>>)
    %dma_wait3A = arith.constant 0 : i32
    %dma_wait3A_76 = arith.constant 0 : i32
    %dma_wait3A_77 = arith.constant 0 : i32
    %dma_wait3A_78 = tpu.memref_slice %arg8[%dma_wait3A_76, %dma_wait3A_77] : memref<512x32xf32, #tpu.memory_space<vmem>> -> memref<128x32xf32, #tpu.memory_space<vmem>>
    %dma_wait3A_79 = arith.constant 0 : i32
    %dma_wait3A_80 = tpu.memref_slice %arg7[%dma_wait3A, %dma_wait3A_79] : memref<4x128xi32, #tpu.memory_space<vmem>> -> memref<1x128xi32, #tpu.memory_space<vmem>>
    %dma_wait3A_81 = tpu.memref_squeeze %dma_wait3A_80 : memref<1x128xi32, #tpu.memory_space<vmem>> -> memref<128xi32, #tpu.memory_space<vmem>>
    %dma_wait3A_82 = arith.constant 0 : i32
    %dma_wait3A_83 = arith.constant 0 : i32
    %dma_wait3A_84 = tpu.memref_slice %arg3[%dma_wait3A_82, %dma_wait3A_83] : memref<1000000x32xf32, #tpu.memory_space<hbm>> -> memref<1000000x32xf32, #tpu.memory_space<hbm>>
    tpu.wait_indirect_dma semaphore(%arg10 : memref<!tpu.dma_semaphore, #tpu.memory_space<semaphore_mem>>) src(%dma_wait3A_84 : memref<1000000x32xf32, #tpu.memory_space<hbm>>) dst(%dma_wait3A_78 : memref<128x32xf32, #tpu.memory_space<vmem>>)
    %dma_wait3A_85 = arith.constant 0 : i32
    %dma_wait3A_86 = arith.constant 0 : i32
    %dma_wait3A_87 = tpu.memref_slice %arg9[%dma_wait3A_86] : memref<512xf32, #tpu.memory_space<vmem>> -> memref<128xf32, #tpu.memory_space<vmem>>
    %dma_wait3A_88 = arith.constant 0 : i32
    %dma_wait3A_89 = tpu.memref_slice %arg7[%dma_wait3A_85, %dma_wait3A_88] : memref<4x128xi32, #tpu.memory_space<vmem>> -> memref<1x128xi32, #tpu.memory_space<vmem>>
    %dma_wait3A_90 = tpu.memref_squeeze %dma_wait3A_89 : memref<1x128xi32, #tpu.memory_space<vmem>> -> memref<128xi32, #tpu.memory_space<vmem>>
    %dma_wait3A_91 = arith.constant 0 : i32
    %dma_wait3A_92 = tpu.memref_slice %arg4[%dma_wait3A_91] : memref<1000000xf32, #tpu.memory_space<hbm>> -> memref<1000000xf32, #tpu.memory_space<hbm>>
    tpu.wait_indirect_dma semaphore(%arg10 : memref<!tpu.dma_semaphore, #tpu.memory_space<semaphore_mem>>) src(%dma_wait3A_92 : memref<1000000xf32, #tpu.memory_space<hbm>>) dst(%dma_wait3A_87 : memref<128xf32, #tpu.memory_space<vmem>>)
    %dma_wait3A_93 = arith.constant 1 : i32
    %dma_wait3A_94 = arith.constant 128 : i32
    %dma_wait3A_95 = arith.constant 0 : i32
    %dma_wait3A_96 = tpu.memref_slice %arg8[%dma_wait3A_94, %dma_wait3A_95] : memref<512x32xf32, #tpu.memory_space<vmem>> -> memref<128x32xf32, #tpu.memory_space<vmem>>
    %dma_wait3A_97 = arith.constant 0 : i32
    %dma_wait3A_98 = tpu.memref_slice %arg7[%dma_wait3A_93, %dma_wait3A_97] : memref<4x128xi32, #tpu.memory_space<vmem>> -> memref<1x128xi32, #tpu.memory_space<vmem>>
    %dma_wait3A_99 = tpu.memref_squeeze %dma_wait3A_98 : memref<1x128xi32, #tpu.memory_space<vmem>> -> memref<128xi32, #tpu.memory_space<vmem>>
    %dma_wait3A_100 = arith.constant 0 : i32
    %dma_wait3A_101 = arith.constant 0 : i32
    %dma_wait3A_102 = tpu.memref_slice %arg3[%dma_wait3A_100, %dma_wait3A_101] : memref<1000000x32xf32, #tpu.memory_space<hbm>> -> memref<1000000x32xf32, #tpu.memory_space<hbm>>
    tpu.wait_indirect_dma semaphore(%arg10 : memref<!tpu.dma_semaphore, #tpu.memory_space<semaphore_mem>>) src(%dma_wait3A_102 : memref<1000000x32xf32, #tpu.memory_space<hbm>>) dst(%dma_wait3A_96 : memref<128x32xf32, #tpu.memory_space<vmem>>)
    %dma_wait3A_103 = arith.constant 1 : i32
    %dma_wait3A_104 = arith.constant 128 : i32
    %dma_wait3A_105 = tpu.memref_slice %arg9[%dma_wait3A_104] : memref<512xf32, #tpu.memory_space<vmem>> -> memref<128xf32, #tpu.memory_space<vmem>>
    %dma_wait3A_106 = arith.constant 0 : i32
    %dma_wait3A_107 = tpu.memref_slice %arg7[%dma_wait3A_103, %dma_wait3A_106] : memref<4x128xi32, #tpu.memory_space<vmem>> -> memref<1x128xi32, #tpu.memory_space<vmem>>
    %dma_wait3A_108 = tpu.memref_squeeze %dma_wait3A_107 : memref<1x128xi32, #tpu.memory_space<vmem>> -> memref<128xi32, #tpu.memory_space<vmem>>
    %dma_wait3A_109 = arith.constant 0 : i32
    %dma_wait3A_110 = tpu.memref_slice %arg4[%dma_wait3A_109] : memref<1000000xf32, #tpu.memory_space<hbm>> -> memref<1000000xf32, #tpu.memory_space<hbm>>
    tpu.wait_indirect_dma semaphore(%arg10 : memref<!tpu.dma_semaphore, #tpu.memory_space<semaphore_mem>>) src(%dma_wait3A_110 : memref<1000000xf32, #tpu.memory_space<hbm>>) dst(%dma_wait3A_105 : memref<128xf32, #tpu.memory_space<vmem>>)
    %dma_wait3A_111 = arith.constant 2 : i32
    %dma_wait3A_112 = arith.constant 256 : i32
    %dma_wait3A_113 = arith.constant 0 : i32
    %dma_wait3A_114 = tpu.memref_slice %arg8[%dma_wait3A_112, %dma_wait3A_113] : memref<512x32xf32, #tpu.memory_space<vmem>> -> memref<128x32xf32, #tpu.memory_space<vmem>>
    %dma_wait3A_115 = arith.constant 0 : i32
    %dma_wait3A_116 = tpu.memref_slice %arg7[%dma_wait3A_111, %dma_wait3A_115] : memref<4x128xi32, #tpu.memory_space<vmem>> -> memref<1x128xi32, #tpu.memory_space<vmem>>
    %dma_wait3A_117 = tpu.memref_squeeze %dma_wait3A_116 : memref<1x128xi32, #tpu.memory_space<vmem>> -> memref<128xi32, #tpu.memory_space<vmem>>
    %dma_wait3A_118 = arith.constant 0 : i32
    %dma_wait3A_119 = arith.constant 0 : i32
    %dma_wait3A_120 = tpu.memref_slice %arg3[%dma_wait3A_118, %dma_wait3A_119] : memref<1000000x32xf32, #tpu.memory_space<hbm>> -> memref<1000000x32xf32, #tpu.memory_space<hbm>>
    tpu.wait_indirect_dma semaphore(%arg10 : memref<!tpu.dma_semaphore, #tpu.memory_space<semaphore_mem>>) src(%dma_wait3A_120 : memref<1000000x32xf32, #tpu.memory_space<hbm>>) dst(%dma_wait3A_114 : memref<128x32xf32, #tpu.memory_space<vmem>>)
    %dma_wait3A_121 = arith.constant 2 : i32
    %dma_wait3A_122 = arith.constant 256 : i32
    %dma_wait3A_123 = tpu.memref_slice %arg9[%dma_wait3A_122] : memref<512xf32, #tpu.memory_space<vmem>> -> memref<128xf32, #tpu.memory_space<vmem>>
    %dma_wait3A_124 = arith.constant 0 : i32
    %dma_wait3A_125 = tpu.memref_slice %arg7[%dma_wait3A_121, %dma_wait3A_124] : memref<4x128xi32, #tpu.memory_space<vmem>> -> memref<1x128xi32, #tpu.memory_space<vmem>>
    %dma_wait3A_126 = tpu.memref_squeeze %dma_wait3A_125 : memref<1x128xi32, #tpu.memory_space<vmem>> -> memref<128xi32, #tpu.memory_space<vmem>>
    %dma_wait3A_127 = arith.constant 0 : i32
    %dma_wait3A_128 = tpu.memref_slice %arg4[%dma_wait3A_127] : memref<1000000xf32, #tpu.memory_space<hbm>> -> memref<1000000xf32, #tpu.memory_space<hbm>>
    tpu.wait_indirect_dma semaphore(%arg10 : memref<!tpu.dma_semaphore, #tpu.memory_space<semaphore_mem>>) src(%dma_wait3A_128 : memref<1000000xf32, #tpu.memory_space<hbm>>) dst(%dma_wait3A_123 : memref<128xf32, #tpu.memory_space<vmem>>)
    %dma_wait3A_129 = arith.constant 3 : i32
    %dma_wait3A_130 = arith.constant 384 : i32
    %dma_wait3A_131 = arith.constant 0 : i32
    %dma_wait3A_132 = tpu.memref_slice %arg8[%dma_wait3A_130, %dma_wait3A_131] : memref<512x32xf32, #tpu.memory_space<vmem>> -> memref<128x32xf32, #tpu.memory_space<vmem>>
    %dma_wait3A_133 = arith.constant 0 : i32
    %dma_wait3A_134 = tpu.memref_slice %arg7[%dma_wait3A_129, %dma_wait3A_133] : memref<4x128xi32, #tpu.memory_space<vmem>> -> memref<1x128xi32, #tpu.memory_space<vmem>>
    %dma_wait3A_135 = tpu.memref_squeeze %dma_wait3A_134 : memref<1x128xi32, #tpu.memory_space<vmem>> -> memref<128xi32, #tpu.memory_space<vmem>>
    %dma_wait3A_136 = arith.constant 0 : i32
    %dma_wait3A_137 = arith.constant 0 : i32
    %dma_wait3A_138 = tpu.memref_slice %arg3[%dma_wait3A_136, %dma_wait3A_137] : memref<1000000x32xf32, #tpu.memory_space<hbm>> -> memref<1000000x32xf32, #tpu.memory_space<hbm>>
    tpu.wait_indirect_dma semaphore(%arg10 : memref<!tpu.dma_semaphore, #tpu.memory_space<semaphore_mem>>) src(%dma_wait3A_138 : memref<1000000x32xf32, #tpu.memory_space<hbm>>) dst(%dma_wait3A_132 : memref<128x32xf32, #tpu.memory_space<vmem>>)
    %dma_wait3A_139 = arith.constant 3 : i32
    %dma_wait3A_140 = arith.constant 384 : i32
    %dma_wait3A_141 = tpu.memref_slice %arg9[%dma_wait3A_140] : memref<512xf32, #tpu.memory_space<vmem>> -> memref<128xf32, #tpu.memory_space<vmem>>
    %dma_wait3A_142 = arith.constant 0 : i32
    %dma_wait3A_143 = tpu.memref_slice %arg7[%dma_wait3A_139, %dma_wait3A_142] : memref<4x128xi32, #tpu.memory_space<vmem>> -> memref<1x128xi32, #tpu.memory_space<vmem>>
    %dma_wait3A_144 = tpu.memref_squeeze %dma_wait3A_143 : memref<1x128xi32, #tpu.memory_space<vmem>> -> memref<128xi32, #tpu.memory_space<vmem>>
    %dma_wait3A_145 = arith.constant 0 : i32
    %dma_wait3A_146 = tpu.memref_slice %arg4[%dma_wait3A_145] : memref<1000000xf32, #tpu.memory_space<hbm>> -> memref<1000000xf32, #tpu.memory_space<hbm>>
    tpu.wait_indirect_dma semaphore(%arg10 : memref<!tpu.dma_semaphore, #tpu.memory_space<semaphore_mem>>) src(%dma_wait3A_146 : memref<1000000xf32, #tpu.memory_space<hbm>>) dst(%dma_wait3A_141 : memref<128xf32, #tpu.memory_space<vmem>>)
    "tpu.region"() ({
      %run_scoped3A = tpu.sem_alloc : memref<!tpu.dma_semaphore, #tpu.memory_space<semaphore_mem>>
      %dma_start3A_147 = arith.constant 0 : i32
      %dma_start3A_148 = tpu.memref_slice %arg5[%mul3A_2, %dma_start3A_147] : memref<16384x32xf32, #tpu.memory_space<hbm>> -> memref<512x32xf32, #tpu.memory_space<hbm>>
      %dma_start3A_149 = arith.constant 0 : i32
      %dma_start3A_150 = tpu.memref_slice %arg5[%mul3A_2, %dma_start3A_149] : memref<16384x32xf32, #tpu.memory_space<hbm>> -> memref<512x32xf32, #tpu.memory_space<hbm>>
      tpu.enqueue_dma source(%arg8 : memref<512x32xf32, #tpu.memory_space<vmem>>) target(%dma_start3A_150 : memref<512x32xf32, #tpu.memory_space<hbm>>) target_semaphore(%run_scoped3A : memref<!tpu.dma_semaphore, #tpu.memory_space<semaphore_mem>>)
      %dma_wait3A_151 = arith.constant 0 : i32
      %dma_wait3A_152 = tpu.memref_slice %arg5[%mul3A_2, %dma_wait3A_151] : memref<16384x32xf32, #tpu.memory_space<hbm>> -> memref<512x32xf32, #tpu.memory_space<hbm>>
      %dma_wait3A_153 = arith.constant 0 : i32
      %dma_wait3A_154 = tpu.memref_slice %arg5[%mul3A_2, %dma_wait3A_153] : memref<16384x32xf32, #tpu.memory_space<hbm>> -> memref<512x32xf32, #tpu.memory_space<hbm>>
      tpu.wait_dma2 semaphore(%run_scoped3A : memref<!tpu.dma_semaphore, #tpu.memory_space<semaphore_mem>>) src(%arg8 : memref<512x32xf32, #tpu.memory_space<vmem>>) dst(%dma_wait3A_154 : memref<512x32xf32, #tpu.memory_space<hbm>>)
      tpu.yield
    }) : () -> ()
    "tpu.region"() ({
      %run_scoped3A = tpu.sem_alloc : memref<!tpu.dma_semaphore, #tpu.memory_space<semaphore_mem>>
      %dma_start3A_147 = tpu.memref_slice %arg6[%mul3A_2] : memref<16384xf32, #tpu.memory_space<hbm>> -> memref<512xf32, #tpu.memory_space<hbm>>
      %dma_start3A_148 = tpu.memref_slice %arg6[%mul3A_2] : memref<16384xf32, #tpu.memory_space<hbm>> -> memref<512xf32, #tpu.memory_space<hbm>>
      tpu.enqueue_dma source(%arg9 : memref<512xf32, #tpu.memory_space<vmem>>) target(%dma_start3A_148 : memref<512xf32, #tpu.memory_space<hbm>>) target_semaphore(%run_scoped3A : memref<!tpu.dma_semaphore, #tpu.memory_space<semaphore_mem>>)
      %dma_wait3A_149 = tpu.memref_slice %arg6[%mul3A_2] : memref<16384xf32, #tpu.memory_space<hbm>> -> memref<512xf32, #tpu.memory_space<hbm>>
      %dma_wait3A_150 = tpu.memref_slice %arg6[%mul3A_2] : memref<16384xf32, #tpu.memory_space<hbm>> -> memref<512xf32, #tpu.memory_space<hbm>>
      tpu.wait_dma2 semaphore(%run_scoped3A : memref<!tpu.dma_semaphore, #tpu.memory_space<semaphore_mem>>) src(%arg9 : memref<512xf32, #tpu.memory_space<vmem>>) dst(%dma_wait3A_150 : memref<512xf32, #tpu.memory_space<hbm>>)
      tpu.yield
    }) : () -> ()
    return
  }
}

#map = affine_map<(d0, d1) -> (0, 0)>
#map1 = affine_map<(d0, d1) -> (0)>
module attributes {stable_mosaic.version = 14 : i64} {
  func.func @_gather_one(%arg0: i32, %arg1: i32, %arg2: memref<128x128xi32, #tpu.memory_space<hbm>>, %arg3: memref<1000000x32xf32, #tpu.memory_space<hbm>>, %arg4: memref<1000000xf32, #tpu.memory_space<hbm>>, %arg5: memref<16384x32xf32, #tpu.memory_space<hbm>>, %arg6: memref<16384xf32, #tpu.memory_space<hbm>>, %arg7: memref<4x128xi32, #tpu.memory_space<vmem>>, %arg8: memref<512x32xf32, #tpu.memory_space<vmem>>, %arg9: memref<512xf32, #tpu.memory_space<vmem>>, %arg10: memref<!tpu.dma_semaphore, #tpu.memory_space<semaphore_mem>>) attributes {dimension_semantics = [#tpu.dimension_semantics<core_parallel>, #tpu.dimension_semantics<subcore_parallel>], iteration_bounds = array<i64: 2, 16>, scalar_prefetch = 0 : i64, scratch_operands = 4 : i64, tpu.core_type = #tpu.core_type<sc_vector_subcore>, window_params = [{transform_indices = #map}, {transform_indices = #map}, {transform_indices = #map1}, {transform_indices = #map}, {transform_indices = #map1}]} {
    %mul3A = arith.constant 2 : i32
    %mul3A_0 = arith.muli %arg1, %mul3A : i32
    %add3A = arith.addi %mul3A_0, %arg0 : i32
    %mul3A_1 = arith.constant 512 : i32
    %mul3A_2 = arith.muli %add3A, %mul3A_1 : i32
    %mul3A_3 = arith.constant 4 : i32
    %mul3A_4 = arith.muli %add3A, %mul3A_3 : i32
    "tpu.region"() ({
      %run_scoped3A = tpu.sem_alloc : memref<!tpu.dma_semaphore, #tpu.memory_space<semaphore_mem>>
      %dma_start3A_147 = arith.constant 0 : i32
      %dma_start3A_148 = tpu.memref_slice %arg2[%mul3A_4, %dma_start3A_147] : memref<128x128xi32, #tpu.memory_space<hbm>> -> memref<4x128xi32, #tpu.memory_space<hbm>>
      %dma_start3A_149 = arith.constant 0 : i32
      %dma_start3A_150 = tpu.memref_slice %arg2[%mul3A_4, %dma_start3A_149] : memref<128x128xi32, #tpu.memory_space<hbm>> -> memref<4x128xi32, #tpu.memory_space<hbm>>
      tpu.enqueue_dma source(%dma_start3A_150 : memref<4x128xi32, #tpu.memory_space<hbm>>) target(%arg7 : memref<4x128xi32, #tpu.memory_space<vmem>>) target_semaphore(%run_scoped3A : memref<!tpu.dma_semaphore, #tpu.memory_space<semaphore_mem>>)
      %dma_wait3A_151 = arith.constant 0 : i32
      %dma_wait3A_152 = tpu.memref_slice %arg2[%mul3A_4, %dma_wait3A_151] : memref<128x128xi32, #tpu.memory_space<hbm>> -> memref<4x128xi32, #tpu.memory_space<hbm>>
      %dma_wait3A_153 = arith.constant 0 : i32
      %dma_wait3A_154 = tpu.memref_slice %arg2[%mul3A_4, %dma_wait3A_153] : memref<128x128xi32, #tpu.memory_space<hbm>> -> memref<4x128xi32, #tpu.memory_space<hbm>>
      tpu.wait_dma2 semaphore(%run_scoped3A : memref<!tpu.dma_semaphore, #tpu.memory_space<semaphore_mem>>) src(%dma_wait3A_154 : memref<4x128xi32, #tpu.memory_space<hbm>>) dst(%arg7 : memref<4x128xi32, #tpu.memory_space<vmem>>)
      tpu.yield
    }) : () -> ()
    %dma_start3A = arith.constant 0 : i32
    %dma_start3A_5 = arith.constant 0 : i32
    %dma_start3A_6 = arith.constant 0 : i32
    %dma_start3A_7 = tpu.memref_slice %arg8[%dma_start3A_5, %dma_start3A_6] : memref<512x32xf32, #tpu.memory_space<vmem>> -> memref<128x32xf32, #tpu.memory_space<vmem>>
    %dma_start3A_8 = arith.constant 0 : i32
    %dma_start3A_9 = tpu.memref_slice %arg7[%dma_start3A, %dma_start3A_8] : memref<4x128xi32, #tpu.memory_space<vmem>> -> memref<1x128xi32, #tpu.memory_space<vmem>>
    %dma_start3A_10 = tpu.memref_squeeze %dma_start3A_9 : memref<1x128xi32, #tpu.memory_space<vmem>> -> memref<128xi32, #tpu.memory_space<vmem>>
    %dma_start3A_11 = arith.constant 0 : i32
    %dma_start3A_12 = arith.constant 0 : i32
    %dma_start3A_13 = tpu.memref_slice %arg3[%dma_start3A_11, %dma_start3A_12] : memref<1000000x32xf32, #tpu.memory_space<hbm>> -> memref<1000000x32xf32, #tpu.memory_space<hbm>>
    tpu.enqueue_indirect_dma source(%dma_start3A_13 : memref<1000000x32xf32, #tpu.memory_space<hbm>>) target(%dma_start3A_7 : memref<128x32xf32, #tpu.memory_space<vmem>>) offsets(%dma_start3A_10 : memref<128xi32, #tpu.memory_space<vmem>>) semaphore(%arg10 : memref<!tpu.dma_semaphore, #tpu.memory_space<semaphore_mem>>)
    %dma_start3A_14 = arith.constant 0 : i32
    %dma_start3A_15 = arith.constant 0 : i32
    %dma_start3A_16 = tpu.memref_slice %arg9[%dma_start3A_15] : memref<512xf32, #tpu.memory_space<vmem>> -> memref<128xf32, #tpu.memory_space<vmem>>
    %dma_start3A_17 = arith.constant 0 : i32
    %dma_start3A_18 = tpu.memref_slice %arg7[%dma_start3A_14, %dma_start3A_17] : memref<4x128xi32, #tpu.memory_space<vmem>> -> memref<1x128xi32, #tpu.memory_space<vmem>>
    %dma_start3A_19 = tpu.memref_squeeze %dma_start3A_18 : memref<1x128xi32, #tpu.memory_space<vmem>> -> memref<128xi32, #tpu.memory_space<vmem>>
    %dma_start3A_20 = arith.constant 0 : i32
    %dma_start3A_21 = tpu.memref_slice %arg4[%dma_start3A_20] : memref<1000000xf32, #tpu.memory_space<hbm>> -> memref<1000000xf32, #tpu.memory_space<hbm>>
    tpu.enqueue_indirect_dma source(%dma_start3A_21 : memref<1000000xf32, #tpu.memory_space<hbm>>) target(%dma_start3A_16 : memref<128xf32, #tpu.memory_space<vmem>>) offsets(%dma_start3A_19 : memref<128xi32, #tpu.memory_space<vmem>>) semaphore(%arg10 : memref<!tpu.dma_semaphore, #tpu.memory_space<semaphore_mem>>)
    %dma_start3A_22 = arith.constant 1 : i32
    %dma_start3A_23 = arith.constant 128 : i32
    %dma_start3A_24 = arith.constant 0 : i32
    %dma_start3A_25 = tpu.memref_slice %arg8[%dma_start3A_23, %dma_start3A_24] : memref<512x32xf32, #tpu.memory_space<vmem>> -> memref<128x32xf32, #tpu.memory_space<vmem>>
    %dma_start3A_26 = arith.constant 0 : i32
    %dma_start3A_27 = tpu.memref_slice %arg7[%dma_start3A_22, %dma_start3A_26] : memref<4x128xi32, #tpu.memory_space<vmem>> -> memref<1x128xi32, #tpu.memory_space<vmem>>
    %dma_start3A_28 = tpu.memref_squeeze %dma_start3A_27 : memref<1x128xi32, #tpu.memory_space<vmem>> -> memref<128xi32, #tpu.memory_space<vmem>>
    %dma_start3A_29 = arith.constant 0 : i32
    %dma_start3A_30 = arith.constant 0 : i32
    %dma_start3A_31 = tpu.memref_slice %arg3[%dma_start3A_29, %dma_start3A_30] : memref<1000000x32xf32, #tpu.memory_space<hbm>> -> memref<1000000x32xf32, #tpu.memory_space<hbm>>
    tpu.enqueue_indirect_dma source(%dma_start3A_31 : memref<1000000x32xf32, #tpu.memory_space<hbm>>) target(%dma_start3A_25 : memref<128x32xf32, #tpu.memory_space<vmem>>) offsets(%dma_start3A_28 : memref<128xi32, #tpu.memory_space<vmem>>) semaphore(%arg10 : memref<!tpu.dma_semaphore, #tpu.memory_space<semaphore_mem>>)
    %dma_start3A_32 = arith.constant 1 : i32
    %dma_start3A_33 = arith.constant 128 : i32
    %dma_start3A_34 = tpu.memref_slice %arg9[%dma_start3A_33] : memref<512xf32, #tpu.memory_space<vmem>> -> memref<128xf32, #tpu.memory_space<vmem>>
    %dma_start3A_35 = arith.constant 0 : i32
    %dma_start3A_36 = tpu.memref_slice %arg7[%dma_start3A_32, %dma_start3A_35] : memref<4x128xi32, #tpu.memory_space<vmem>> -> memref<1x128xi32, #tpu.memory_space<vmem>>
    %dma_start3A_37 = tpu.memref_squeeze %dma_start3A_36 : memref<1x128xi32, #tpu.memory_space<vmem>> -> memref<128xi32, #tpu.memory_space<vmem>>
    %dma_start3A_38 = arith.constant 0 : i32
    %dma_start3A_39 = tpu.memref_slice %arg4[%dma_start3A_38] : memref<1000000xf32, #tpu.memory_space<hbm>> -> memref<1000000xf32, #tpu.memory_space<hbm>>
    tpu.enqueue_indirect_dma source(%dma_start3A_39 : memref<1000000xf32, #tpu.memory_space<hbm>>) target(%dma_start3A_34 : memref<128xf32, #tpu.memory_space<vmem>>) offsets(%dma_start3A_37 : memref<128xi32, #tpu.memory_space<vmem>>) semaphore(%arg10 : memref<!tpu.dma_semaphore, #tpu.memory_space<semaphore_mem>>)
    %dma_start3A_40 = arith.constant 2 : i32
    %dma_start3A_41 = arith.constant 256 : i32
    %dma_start3A_42 = arith.constant 0 : i32
    %dma_start3A_43 = tpu.memref_slice %arg8[%dma_start3A_41, %dma_start3A_42] : memref<512x32xf32, #tpu.memory_space<vmem>> -> memref<128x32xf32, #tpu.memory_space<vmem>>
    %dma_start3A_44 = arith.constant 0 : i32
    %dma_start3A_45 = tpu.memref_slice %arg7[%dma_start3A_40, %dma_start3A_44] : memref<4x128xi32, #tpu.memory_space<vmem>> -> memref<1x128xi32, #tpu.memory_space<vmem>>
    %dma_start3A_46 = tpu.memref_squeeze %dma_start3A_45 : memref<1x128xi32, #tpu.memory_space<vmem>> -> memref<128xi32, #tpu.memory_space<vmem>>
    %dma_start3A_47 = arith.constant 0 : i32
    %dma_start3A_48 = arith.constant 0 : i32
    %dma_start3A_49 = tpu.memref_slice %arg3[%dma_start3A_47, %dma_start3A_48] : memref<1000000x32xf32, #tpu.memory_space<hbm>> -> memref<1000000x32xf32, #tpu.memory_space<hbm>>
    tpu.enqueue_indirect_dma source(%dma_start3A_49 : memref<1000000x32xf32, #tpu.memory_space<hbm>>) target(%dma_start3A_43 : memref<128x32xf32, #tpu.memory_space<vmem>>) offsets(%dma_start3A_46 : memref<128xi32, #tpu.memory_space<vmem>>) semaphore(%arg10 : memref<!tpu.dma_semaphore, #tpu.memory_space<semaphore_mem>>)
    %dma_start3A_50 = arith.constant 2 : i32
    %dma_start3A_51 = arith.constant 256 : i32
    %dma_start3A_52 = tpu.memref_slice %arg9[%dma_start3A_51] : memref<512xf32, #tpu.memory_space<vmem>> -> memref<128xf32, #tpu.memory_space<vmem>>
    %dma_start3A_53 = arith.constant 0 : i32
    %dma_start3A_54 = tpu.memref_slice %arg7[%dma_start3A_50, %dma_start3A_53] : memref<4x128xi32, #tpu.memory_space<vmem>> -> memref<1x128xi32, #tpu.memory_space<vmem>>
    %dma_start3A_55 = tpu.memref_squeeze %dma_start3A_54 : memref<1x128xi32, #tpu.memory_space<vmem>> -> memref<128xi32, #tpu.memory_space<vmem>>
    %dma_start3A_56 = arith.constant 0 : i32
    %dma_start3A_57 = tpu.memref_slice %arg4[%dma_start3A_56] : memref<1000000xf32, #tpu.memory_space<hbm>> -> memref<1000000xf32, #tpu.memory_space<hbm>>
    tpu.enqueue_indirect_dma source(%dma_start3A_57 : memref<1000000xf32, #tpu.memory_space<hbm>>) target(%dma_start3A_52 : memref<128xf32, #tpu.memory_space<vmem>>) offsets(%dma_start3A_55 : memref<128xi32, #tpu.memory_space<vmem>>) semaphore(%arg10 : memref<!tpu.dma_semaphore, #tpu.memory_space<semaphore_mem>>)
    %dma_start3A_58 = arith.constant 3 : i32
    %dma_start3A_59 = arith.constant 384 : i32
    %dma_start3A_60 = arith.constant 0 : i32
    %dma_start3A_61 = tpu.memref_slice %arg8[%dma_start3A_59, %dma_start3A_60] : memref<512x32xf32, #tpu.memory_space<vmem>> -> memref<128x32xf32, #tpu.memory_space<vmem>>
    %dma_start3A_62 = arith.constant 0 : i32
    %dma_start3A_63 = tpu.memref_slice %arg7[%dma_start3A_58, %dma_start3A_62] : memref<4x128xi32, #tpu.memory_space<vmem>> -> memref<1x128xi32, #tpu.memory_space<vmem>>
    %dma_start3A_64 = tpu.memref_squeeze %dma_start3A_63 : memref<1x128xi32, #tpu.memory_space<vmem>> -> memref<128xi32, #tpu.memory_space<vmem>>
    %dma_start3A_65 = arith.constant 0 : i32
    %dma_start3A_66 = arith.constant 0 : i32
    %dma_start3A_67 = tpu.memref_slice %arg3[%dma_start3A_65, %dma_start3A_66] : memref<1000000x32xf32, #tpu.memory_space<hbm>> -> memref<1000000x32xf32, #tpu.memory_space<hbm>>
    tpu.enqueue_indirect_dma source(%dma_start3A_67 : memref<1000000x32xf32, #tpu.memory_space<hbm>>) target(%dma_start3A_61 : memref<128x32xf32, #tpu.memory_space<vmem>>) offsets(%dma_start3A_64 : memref<128xi32, #tpu.memory_space<vmem>>) semaphore(%arg10 : memref<!tpu.dma_semaphore, #tpu.memory_space<semaphore_mem>>)
    %dma_start3A_68 = arith.constant 3 : i32
    %dma_start3A_69 = arith.constant 384 : i32
    %dma_start3A_70 = tpu.memref_slice %arg9[%dma_start3A_69] : memref<512xf32, #tpu.memory_space<vmem>> -> memref<128xf32, #tpu.memory_space<vmem>>
    %dma_start3A_71 = arith.constant 0 : i32
    %dma_start3A_72 = tpu.memref_slice %arg7[%dma_start3A_68, %dma_start3A_71] : memref<4x128xi32, #tpu.memory_space<vmem>> -> memref<1x128xi32, #tpu.memory_space<vmem>>
    %dma_start3A_73 = tpu.memref_squeeze %dma_start3A_72 : memref<1x128xi32, #tpu.memory_space<vmem>> -> memref<128xi32, #tpu.memory_space<vmem>>
    %dma_start3A_74 = arith.constant 0 : i32
    %dma_start3A_75 = tpu.memref_slice %arg4[%dma_start3A_74] : memref<1000000xf32, #tpu.memory_space<hbm>> -> memref<1000000xf32, #tpu.memory_space<hbm>>
    tpu.enqueue_indirect_dma source(%dma_start3A_75 : memref<1000000xf32, #tpu.memory_space<hbm>>) target(%dma_start3A_70 : memref<128xf32, #tpu.memory_space<vmem>>) offsets(%dma_start3A_73 : memref<128xi32, #tpu.memory_space<vmem>>) semaphore(%arg10 : memref<!tpu.dma_semaphore, #tpu.memory_space<semaphore_mem>>)
    %dma_wait3A = arith.constant 0 : i32
    %dma_wait3A_76 = arith.constant 0 : i32
    %dma_wait3A_77 = arith.constant 0 : i32
    %dma_wait3A_78 = tpu.memref_slice %arg8[%dma_wait3A_76, %dma_wait3A_77] : memref<512x32xf32, #tpu.memory_space<vmem>> -> memref<128x32xf32, #tpu.memory_space<vmem>>
    %dma_wait3A_79 = arith.constant 0 : i32
    %dma_wait3A_80 = tpu.memref_slice %arg7[%dma_wait3A, %dma_wait3A_79] : memref<4x128xi32, #tpu.memory_space<vmem>> -> memref<1x128xi32, #tpu.memory_space<vmem>>
    %dma_wait3A_81 = tpu.memref_squeeze %dma_wait3A_80 : memref<1x128xi32, #tpu.memory_space<vmem>> -> memref<128xi32, #tpu.memory_space<vmem>>
    %dma_wait3A_82 = arith.constant 0 : i32
    %dma_wait3A_83 = arith.constant 0 : i32
    %dma_wait3A_84 = tpu.memref_slice %arg3[%dma_wait3A_82, %dma_wait3A_83] : memref<1000000x32xf32, #tpu.memory_space<hbm>> -> memref<1000000x32xf32, #tpu.memory_space<hbm>>
    tpu.wait_indirect_dma semaphore(%arg10 : memref<!tpu.dma_semaphore, #tpu.memory_space<semaphore_mem>>) src(%dma_wait3A_84 : memref<1000000x32xf32, #tpu.memory_space<hbm>>) dst(%dma_wait3A_78 : memref<128x32xf32, #tpu.memory_space<vmem>>)
    %dma_wait3A_85 = arith.constant 0 : i32
    %dma_wait3A_86 = arith.constant 0 : i32
    %dma_wait3A_87 = tpu.memref_slice %arg9[%dma_wait3A_86] : memref<512xf32, #tpu.memory_space<vmem>> -> memref<128xf32, #tpu.memory_space<vmem>>
    %dma_wait3A_88 = arith.constant 0 : i32
    %dma_wait3A_89 = tpu.memref_slice %arg7[%dma_wait3A_85, %dma_wait3A_88] : memref<4x128xi32, #tpu.memory_space<vmem>> -> memref<1x128xi32, #tpu.memory_space<vmem>>
    %dma_wait3A_90 = tpu.memref_squeeze %dma_wait3A_89 : memref<1x128xi32, #tpu.memory_space<vmem>> -> memref<128xi32, #tpu.memory_space<vmem>>
    %dma_wait3A_91 = arith.constant 0 : i32
    %dma_wait3A_92 = tpu.memref_slice %arg4[%dma_wait3A_91] : memref<1000000xf32, #tpu.memory_space<hbm>> -> memref<1000000xf32, #tpu.memory_space<hbm>>
    tpu.wait_indirect_dma semaphore(%arg10 : memref<!tpu.dma_semaphore, #tpu.memory_space<semaphore_mem>>) src(%dma_wait3A_92 : memref<1000000xf32, #tpu.memory_space<hbm>>) dst(%dma_wait3A_87 : memref<128xf32, #tpu.memory_space<vmem>>)
    %dma_wait3A_93 = arith.constant 1 : i32
    %dma_wait3A_94 = arith.constant 128 : i32
    %dma_wait3A_95 = arith.constant 0 : i32
    %dma_wait3A_96 = tpu.memref_slice %arg8[%dma_wait3A_94, %dma_wait3A_95] : memref<512x32xf32, #tpu.memory_space<vmem>> -> memref<128x32xf32, #tpu.memory_space<vmem>>
    %dma_wait3A_97 = arith.constant 0 : i32
    %dma_wait3A_98 = tpu.memref_slice %arg7[%dma_wait3A_93, %dma_wait3A_97] : memref<4x128xi32, #tpu.memory_space<vmem>> -> memref<1x128xi32, #tpu.memory_space<vmem>>
    %dma_wait3A_99 = tpu.memref_squeeze %dma_wait3A_98 : memref<1x128xi32, #tpu.memory_space<vmem>> -> memref<128xi32, #tpu.memory_space<vmem>>
    %dma_wait3A_100 = arith.constant 0 : i32
    %dma_wait3A_101 = arith.constant 0 : i32
    %dma_wait3A_102 = tpu.memref_slice %arg3[%dma_wait3A_100, %dma_wait3A_101] : memref<1000000x32xf32, #tpu.memory_space<hbm>> -> memref<1000000x32xf32, #tpu.memory_space<hbm>>
    tpu.wait_indirect_dma semaphore(%arg10 : memref<!tpu.dma_semaphore, #tpu.memory_space<semaphore_mem>>) src(%dma_wait3A_102 : memref<1000000x32xf32, #tpu.memory_space<hbm>>) dst(%dma_wait3A_96 : memref<128x32xf32, #tpu.memory_space<vmem>>)
    %dma_wait3A_103 = arith.constant 1 : i32
    %dma_wait3A_104 = arith.constant 128 : i32
    %dma_wait3A_105 = tpu.memref_slice %arg9[%dma_wait3A_104] : memref<512xf32, #tpu.memory_space<vmem>> -> memref<128xf32, #tpu.memory_space<vmem>>
    %dma_wait3A_106 = arith.constant 0 : i32
    %dma_wait3A_107 = tpu.memref_slice %arg7[%dma_wait3A_103, %dma_wait3A_106] : memref<4x128xi32, #tpu.memory_space<vmem>> -> memref<1x128xi32, #tpu.memory_space<vmem>>
    %dma_wait3A_108 = tpu.memref_squeeze %dma_wait3A_107 : memref<1x128xi32, #tpu.memory_space<vmem>> -> memref<128xi32, #tpu.memory_space<vmem>>
    %dma_wait3A_109 = arith.constant 0 : i32
    %dma_wait3A_110 = tpu.memref_slice %arg4[%dma_wait3A_109] : memref<1000000xf32, #tpu.memory_space<hbm>> -> memref<1000000xf32, #tpu.memory_space<hbm>>
    tpu.wait_indirect_dma semaphore(%arg10 : memref<!tpu.dma_semaphore, #tpu.memory_space<semaphore_mem>>) src(%dma_wait3A_110 : memref<1000000xf32, #tpu.memory_space<hbm>>) dst(%dma_wait3A_105 : memref<128xf32, #tpu.memory_space<vmem>>)
    %dma_wait3A_111 = arith.constant 2 : i32
    %dma_wait3A_112 = arith.constant 256 : i32
    %dma_wait3A_113 = arith.constant 0 : i32
    %dma_wait3A_114 = tpu.memref_slice %arg8[%dma_wait3A_112, %dma_wait3A_113] : memref<512x32xf32, #tpu.memory_space<vmem>> -> memref<128x32xf32, #tpu.memory_space<vmem>>
    %dma_wait3A_115 = arith.constant 0 : i32
    %dma_wait3A_116 = tpu.memref_slice %arg7[%dma_wait3A_111, %dma_wait3A_115] : memref<4x128xi32, #tpu.memory_space<vmem>> -> memref<1x128xi32, #tpu.memory_space<vmem>>
    %dma_wait3A_117 = tpu.memref_squeeze %dma_wait3A_116 : memref<1x128xi32, #tpu.memory_space<vmem>> -> memref<128xi32, #tpu.memory_space<vmem>>
    %dma_wait3A_118 = arith.constant 0 : i32
    %dma_wait3A_119 = arith.constant 0 : i32
    %dma_wait3A_120 = tpu.memref_slice %arg3[%dma_wait3A_118, %dma_wait3A_119] : memref<1000000x32xf32, #tpu.memory_space<hbm>> -> memref<1000000x32xf32, #tpu.memory_space<hbm>>
    tpu.wait_indirect_dma semaphore(%arg10 : memref<!tpu.dma_semaphore, #tpu.memory_space<semaphore_mem>>) src(%dma_wait3A_120 : memref<1000000x32xf32, #tpu.memory_space<hbm>>) dst(%dma_wait3A_114 : memref<128x32xf32, #tpu.memory_space<vmem>>)
    %dma_wait3A_121 = arith.constant 2 : i32
    %dma_wait3A_122 = arith.constant 256 : i32
    %dma_wait3A_123 = tpu.memref_slice %arg9[%dma_wait3A_122] : memref<512xf32, #tpu.memory_space<vmem>> -> memref<128xf32, #tpu.memory_space<vmem>>
    %dma_wait3A_124 = arith.constant 0 : i32
    %dma_wait3A_125 = tpu.memref_slice %arg7[%dma_wait3A_121, %dma_wait3A_124] : memref<4x128xi32, #tpu.memory_space<vmem>> -> memref<1x128xi32, #tpu.memory_space<vmem>>
    %dma_wait3A_126 = tpu.memref_squeeze %dma_wait3A_125 : memref<1x128xi32, #tpu.memory_space<vmem>> -> memref<128xi32, #tpu.memory_space<vmem>>
    %dma_wait3A_127 = arith.constant 0 : i32
    %dma_wait3A_128 = tpu.memref_slice %arg4[%dma_wait3A_127] : memref<1000000xf32, #tpu.memory_space<hbm>> -> memref<1000000xf32, #tpu.memory_space<hbm>>
    tpu.wait_indirect_dma semaphore(%arg10 : memref<!tpu.dma_semaphore, #tpu.memory_space<semaphore_mem>>) src(%dma_wait3A_128 : memref<1000000xf32, #tpu.memory_space<hbm>>) dst(%dma_wait3A_123 : memref<128xf32, #tpu.memory_space<vmem>>)
    %dma_wait3A_129 = arith.constant 3 : i32
    %dma_wait3A_130 = arith.constant 384 : i32
    %dma_wait3A_131 = arith.constant 0 : i32
    %dma_wait3A_132 = tpu.memref_slice %arg8[%dma_wait3A_130, %dma_wait3A_131] : memref<512x32xf32, #tpu.memory_space<vmem>> -> memref<128x32xf32, #tpu.memory_space<vmem>>
    %dma_wait3A_133 = arith.constant 0 : i32
    %dma_wait3A_134 = tpu.memref_slice %arg7[%dma_wait3A_129, %dma_wait3A_133] : memref<4x128xi32, #tpu.memory_space<vmem>> -> memref<1x128xi32, #tpu.memory_space<vmem>>
    %dma_wait3A_135 = tpu.memref_squeeze %dma_wait3A_134 : memref<1x128xi32, #tpu.memory_space<vmem>> -> memref<128xi32, #tpu.memory_space<vmem>>
    %dma_wait3A_136 = arith.constant 0 : i32
    %dma_wait3A_137 = arith.constant 0 : i32
    %dma_wait3A_138 = tpu.memref_slice %arg3[%dma_wait3A_136, %dma_wait3A_137] : memref<1000000x32xf32, #tpu.memory_space<hbm>> -> memref<1000000x32xf32, #tpu.memory_space<hbm>>
    tpu.wait_indirect_dma semaphore(%arg10 : memref<!tpu.dma_semaphore, #tpu.memory_space<semaphore_mem>>) src(%dma_wait3A_138 : memref<1000000x32xf32, #tpu.memory_space<hbm>>) dst(%dma_wait3A_132 : memref<128x32xf32, #tpu.memory_space<vmem>>)
    %dma_wait3A_139 = arith.constant 3 : i32
    %dma_wait3A_140 = arith.constant 384 : i32
    %dma_wait3A_141 = tpu.memref_slice %arg9[%dma_wait3A_140] : memref<512xf32, #tpu.memory_space<vmem>> -> memref<128xf32, #tpu.memory_space<vmem>>
    %dma_wait3A_142 = arith.constant 0 : i32
    %dma_wait3A_143 = tpu.memref_slice %arg7[%dma_wait3A_139, %dma_wait3A_142] : memref<4x128xi32, #tpu.memory_space<vmem>> -> memref<1x128xi32, #tpu.memory_space<vmem>>
    %dma_wait3A_144 = tpu.memref_squeeze %dma_wait3A_143 : memref<1x128xi32, #tpu.memory_space<vmem>> -> memref<128xi32, #tpu.memory_space<vmem>>
    %dma_wait3A_145 = arith.constant 0 : i32
    %dma_wait3A_146 = tpu.memref_slice %arg4[%dma_wait3A_145] : memref<1000000xf32, #tpu.memory_space<hbm>> -> memref<1000000xf32, #tpu.memory_space<hbm>>
    tpu.wait_indirect_dma semaphore(%arg10 : memref<!tpu.dma_semaphore, #tpu.memory_space<semaphore_mem>>) src(%dma_wait3A_146 : memref<1000000xf32, #tpu.memory_space<hbm>>) dst(%dma_wait3A_141 : memref<128xf32, #tpu.memory_space<vmem>>)
    "tpu.region"() ({
      %run_scoped3A = tpu.sem_alloc : memref<!tpu.dma_semaphore, #tpu.memory_space<semaphore_mem>>
      %dma_start3A_147 = arith.constant 0 : i32
      %dma_start3A_148 = tpu.memref_slice %arg5[%mul3A_2, %dma_start3A_147] : memref<16384x32xf32, #tpu.memory_space<hbm>> -> memref<512x32xf32, #tpu.memory_space<hbm>>
      %dma_start3A_149 = arith.constant 0 : i32
      %dma_start3A_150 = tpu.memref_slice %arg5[%mul3A_2, %dma_start3A_149] : memref<16384x32xf32, #tpu.memory_space<hbm>> -> memref<512x32xf32, #tpu.memory_space<hbm>>
      tpu.enqueue_dma source(%arg8 : memref<512x32xf32, #tpu.memory_space<vmem>>) target(%dma_start3A_150 : memref<512x32xf32, #tpu.memory_space<hbm>>) target_semaphore(%run_scoped3A : memref<!tpu.dma_semaphore, #tpu.memory_space<semaphore_mem>>)
      %dma_wait3A_151 = arith.constant 0 : i32
      %dma_wait3A_152 = tpu.memref_slice %arg5[%mul3A_2, %dma_wait3A_151] : memref<16384x32xf32, #tpu.memory_space<hbm>> -> memref<512x32xf32, #tpu.memory_space<hbm>>
      %dma_wait3A_153 = arith.constant 0 : i32
      %dma_wait3A_154 = tpu.memref_slice %arg5[%mul3A_2, %dma_wait3A_153] : memref<16384x32xf32, #tpu.memory_space<hbm>> -> memref<512x32xf32, #tpu.memory_space<hbm>>
      tpu.wait_dma2 semaphore(%run_scoped3A : memref<!tpu.dma_semaphore, #tpu.memory_space<semaphore_mem>>) src(%arg8 : memref<512x32xf32, #tpu.memory_space<vmem>>) dst(%dma_wait3A_154 : memref<512x32xf32, #tpu.memory_space<hbm>>)
      tpu.yield
    }) : () -> ()
    "tpu.region"() ({
      %run_scoped3A = tpu.sem_alloc : memref<!tpu.dma_semaphore, #tpu.memory_space<semaphore_mem>>
      %dma_start3A_147 = tpu.memref_slice %arg6[%mul3A_2] : memref<16384xf32, #tpu.memory_space<hbm>> -> memref<512xf32, #tpu.memory_space<hbm>>
      %dma_start3A_148 = tpu.memref_slice %arg6[%mul3A_2] : memref<16384xf32, #tpu.memory_space<hbm>> -> memref<512xf32, #tpu.memory_space<hbm>>
      tpu.enqueue_dma source(%arg9 : memref<512xf32, #tpu.memory_space<vmem>>) target(%dma_start3A_148 : memref<512xf32, #tpu.memory_space<hbm>>) target_semaphore(%run_scoped3A : memref<!tpu.dma_semaphore, #tpu.memory_space<semaphore_mem>>)
      %dma_wait3A_149 = tpu.memref_slice %arg6[%mul3A_2] : memref<16384xf32, #tpu.memory_space<hbm>> -> memref<512xf32, #tpu.memory_space<hbm>>
      %dma_wait3A_150 = tpu.memref_slice %arg6[%mul3A_2] : memref<16384xf32, #tpu.memory_space<hbm>> -> memref<512xf32, #tpu.memory_space<hbm>>
      tpu.wait_dma2 semaphore(%run_scoped3A : memref<!tpu.dma_semaphore, #tpu.memory_space<semaphore_mem>>) src(%arg9 : memref<512xf32, #tpu.memory_space<vmem>>) dst(%dma_wait3A_150 : memref<512xf32, #tpu.memory_space<hbm>>)
      tpu.yield
    }) : () -> ()
    return
  }
}

#map = affine_map<(d0, d1) -> (0, 0)>
#map1 = affine_map<(d0, d1) -> (0)>
module attributes {stable_mosaic.version = 14 : i64} {
  func.func @_combine(%arg0: i32, %arg1: i32, %arg2: memref<16384x32xf32, #tpu.memory_space<hbm>>, %arg3: memref<16384x32xf32, #tpu.memory_space<hbm>>, %arg4: memref<16384xf32, #tpu.memory_space<hbm>>, %arg5: memref<16384xf32, #tpu.memory_space<hbm>>, %arg6: memref<16384xf32, #tpu.memory_space<hbm>>, %arg7: memref<512x32xf32, #tpu.memory_space<vmem>>, %arg8: memref<512x32xf32, #tpu.memory_space<vmem>>, %arg9: memref<512xf32, #tpu.memory_space<vmem>>, %arg10: memref<512xf32, #tpu.memory_space<vmem>>, %arg11: memref<512xf32, #tpu.memory_space<vmem>>) attributes {dimension_semantics = [#tpu.dimension_semantics<core_parallel>, #tpu.dimension_semantics<subcore_parallel>], iteration_bounds = array<i64: 2, 16>, scalar_prefetch = 0 : i64, scratch_operands = 5 : i64, tpu.core_type = #tpu.core_type<sc_vector_subcore>, window_params = [{transform_indices = #map}, {transform_indices = #map}, {transform_indices = #map1}, {transform_indices = #map1}, {transform_indices = #map1}]} {
    %mul3A = arith.constant 2 : i32
    %mul3A_0 = arith.muli %arg1, %mul3A : i32
    %add3A = arith.addi %mul3A_0, %arg0 : i32
    %mul3A_1 = arith.constant 512 : i32
    %mul3A_2 = arith.muli %add3A, %mul3A_1 : i32
    "tpu.region"() ({
      %run_scoped3A = tpu.sem_alloc : memref<!tpu.dma_semaphore, #tpu.memory_space<semaphore_mem>>
      %dma_start3A = arith.constant 0 : i32
      %dma_start3A_8 = tpu.memref_slice %arg2[%mul3A_2, %dma_start3A] : memref<16384x32xf32, #tpu.memory_space<hbm>> -> memref<512x32xf32, #tpu.memory_space<hbm>>
      %dma_start3A_9 = arith.constant 0 : i32
      %dma_start3A_10 = tpu.memref_slice %arg2[%mul3A_2, %dma_start3A_9] : memref<16384x32xf32, #tpu.memory_space<hbm>> -> memref<512x32xf32, #tpu.memory_space<hbm>>
      tpu.enqueue_dma source(%dma_start3A_10 : memref<512x32xf32, #tpu.memory_space<hbm>>) target(%arg7 : memref<512x32xf32, #tpu.memory_space<vmem>>) target_semaphore(%run_scoped3A : memref<!tpu.dma_semaphore, #tpu.memory_space<semaphore_mem>>)
      %dma_wait3A = arith.constant 0 : i32
      %dma_wait3A_11 = tpu.memref_slice %arg2[%mul3A_2, %dma_wait3A] : memref<16384x32xf32, #tpu.memory_space<hbm>> -> memref<512x32xf32, #tpu.memory_space<hbm>>
      %dma_wait3A_12 = arith.constant 0 : i32
      %dma_wait3A_13 = tpu.memref_slice %arg2[%mul3A_2, %dma_wait3A_12] : memref<16384x32xf32, #tpu.memory_space<hbm>> -> memref<512x32xf32, #tpu.memory_space<hbm>>
      tpu.wait_dma2 semaphore(%run_scoped3A : memref<!tpu.dma_semaphore, #tpu.memory_space<semaphore_mem>>) src(%dma_wait3A_13 : memref<512x32xf32, #tpu.memory_space<hbm>>) dst(%arg7 : memref<512x32xf32, #tpu.memory_space<vmem>>)
      tpu.yield
    }) : () -> ()
    "tpu.region"() ({
      %run_scoped3A = tpu.sem_alloc : memref<!tpu.dma_semaphore, #tpu.memory_space<semaphore_mem>>
      %dma_start3A = arith.constant 0 : i32
      %dma_start3A_8 = tpu.memref_slice %arg3[%mul3A_2, %dma_start3A] : memref<16384x32xf32, #tpu.memory_space<hbm>> -> memref<512x32xf32, #tpu.memory_space<hbm>>
      %dma_start3A_9 = arith.constant 0 : i32
      %dma_start3A_10 = tpu.memref_slice %arg3[%mul3A_2, %dma_start3A_9] : memref<16384x32xf32, #tpu.memory_space<hbm>> -> memref<512x32xf32, #tpu.memory_space<hbm>>
      tpu.enqueue_dma source(%dma_start3A_10 : memref<512x32xf32, #tpu.memory_space<hbm>>) target(%arg8 : memref<512x32xf32, #tpu.memory_space<vmem>>) target_semaphore(%run_scoped3A : memref<!tpu.dma_semaphore, #tpu.memory_space<semaphore_mem>>)
      %dma_wait3A = arith.constant 0 : i32
      %dma_wait3A_11 = tpu.memref_slice %arg3[%mul3A_2, %dma_wait3A] : memref<16384x32xf32, #tpu.memory_space<hbm>> -> memref<512x32xf32, #tpu.memory_space<hbm>>
      %dma_wait3A_12 = arith.constant 0 : i32
      %dma_wait3A_13 = tpu.memref_slice %arg3[%mul3A_2, %dma_wait3A_12] : memref<16384x32xf32, #tpu.memory_space<hbm>> -> memref<512x32xf32, #tpu.memory_space<hbm>>
      tpu.wait_dma2 semaphore(%run_scoped3A : memref<!tpu.dma_semaphore, #tpu.memory_space<semaphore_mem>>) src(%dma_wait3A_13 : memref<512x32xf32, #tpu.memory_space<hbm>>) dst(%arg8 : memref<512x32xf32, #tpu.memory_space<vmem>>)
      tpu.yield
    }) : () -> ()
    "tpu.region"() ({
      %run_scoped3A = tpu.sem_alloc : memref<!tpu.dma_semaphore, #tpu.memory_space<semaphore_mem>>
      %dma_start3A = tpu.memref_slice %arg4[%mul3A_2] : memref<16384xf32, #tpu.memory_space<hbm>> -> memref<512xf32, #tpu.memory_space<hbm>>
      %dma_start3A_8 = tpu.memref_slice %arg4[%mul3A_2] : memref<16384xf32, #tpu.memory_space<hbm>> -> memref<512xf32, #tpu.memory_space<hbm>>
      tpu.enqueue_dma source(%dma_start3A_8 : memref<512xf32, #tpu.memory_space<hbm>>) target(%arg9 : memref<512xf32, #tpu.memory_space<vmem>>) target_semaphore(%run_scoped3A : memref<!tpu.dma_semaphore, #tpu.memory_space<semaphore_mem>>)
      %dma_wait3A = tpu.memref_slice %arg4[%mul3A_2] : memref<16384xf32, #tpu.memory_space<hbm>> -> memref<512xf32, #tpu.memory_space<hbm>>
      %dma_wait3A_9 = tpu.memref_slice %arg4[%mul3A_2] : memref<16384xf32, #tpu.memory_space<hbm>> -> memref<512xf32, #tpu.memory_space<hbm>>
      tpu.wait_dma2 semaphore(%run_scoped3A : memref<!tpu.dma_semaphore, #tpu.memory_space<semaphore_mem>>) src(%dma_wait3A_9 : memref<512xf32, #tpu.memory_space<hbm>>) dst(%arg9 : memref<512xf32, #tpu.memory_space<vmem>>)
      tpu.yield
    }) : () -> ()
    "tpu.region"() ({
      %run_scoped3A = tpu.sem_alloc : memref<!tpu.dma_semaphore, #tpu.memory_space<semaphore_mem>>
      %dma_start3A = tpu.memref_slice %arg5[%mul3A_2] : memref<16384xf32, #tpu.memory_space<hbm>> -> memref<512xf32, #tpu.memory_space<hbm>>
      %dma_start3A_8 = tpu.memref_slice %arg5[%mul3A_2] : memref<16384xf32, #tpu.memory_space<hbm>> -> memref<512xf32, #tpu.memory_space<hbm>>
      tpu.enqueue_dma source(%dma_start3A_8 : memref<512xf32, #tpu.memory_space<hbm>>) target(%arg10 : memref<512xf32, #tpu.memory_space<vmem>>) target_semaphore(%run_scoped3A : memref<!tpu.dma_semaphore, #tpu.memory_space<semaphore_mem>>)
      %dma_wait3A = tpu.memref_slice %arg5[%mul3A_2] : memref<16384xf32, #tpu.memory_space<hbm>> -> memref<512xf32, #tpu.memory_space<hbm>>
      %dma_wait3A_9 = tpu.memref_slice %arg5[%mul3A_2] : memref<16384xf32, #tpu.memory_space<hbm>> -> memref<512xf32, #tpu.memory_space<hbm>>
      tpu.wait_dma2 semaphore(%run_scoped3A : memref<!tpu.dma_semaphore, #tpu.memory_space<semaphore_mem>>) src(%dma_wait3A_9 : memref<512xf32, #tpu.memory_space<hbm>>) dst(%arg10 : memref<512xf32, #tpu.memory_space<vmem>>)
      tpu.yield
    }) : () -> ()
    %scan3A = arith.constant 0 : i32
    %scan3A_3 = arith.constant 0 : i32
    %scan3A_4 = arith.constant 32 : i32
    %scan3A_5 = arith.addi %scan3A_3, %scan3A_4 : i32
    %scan3A_6 = arith.constant 1 : i32
    scf.for %scan3A_8 = %scan3A_3 to %scan3A_5 step %scan3A_6  : i32 {
      %mul3A_9 = arith.constant 16 : i32
      %mul3A_10 = arith.muli %scan3A_8, %mul3A_9 : i32
      %iota3A = tpu.iota {dimensions = array<i32: 0>} : vector<16xi32>
      %add3A_11 = vector.broadcast %mul3A_10 : i32 to vector<16xi32>
      %add3A_12 = arith.addi %add3A_11, %iota3A : vector<16xi32>
      %get3A = arith.index_cast %mul3A_10 : i32 to index
      %get3A_13 = tpu.vector_load %arg9[%get3A] {strides = array<i32>} : memref<512xf32, #tpu.memory_space<vmem>>, vector<16xf32>,
      %get3A_14 = arith.index_cast %mul3A_10 : i32 to index
      %get3A_15 = tpu.vector_load %arg10[%get3A_14] {strides = array<i32>} : memref<512xf32, #tpu.memory_space<vmem>>, vector<16xf32>,
      %add3A_16 = arith.addf %get3A_13, %get3A_15 : vector<16xf32>
      %broadcast_in_dim3A = arith.constant 0 : i32
      %broadcast_in_dim3A_17 = vector.broadcast %broadcast_in_dim3A : i32 to vector<16xi32>
      %gather3A = tpu.vector_load_idx %arg7[%add3A_12, %broadcast_in_dim3A_17] : memref<512x32xf32, #tpu.memory_space<vmem>>[vector<16xi32>, vector<16xi32>], vector<16xf32>,
      %gather3A_18 = tpu.vector_load_idx %arg8[%add3A_12, %broadcast_in_dim3A_17] : memref<512x32xf32, #tpu.memory_space<vmem>>[vector<16xi32>, vector<16xi32>], vector<16xf32>,
      %mul3A_19 = arith.mulf %gather3A, %gather3A_18 : vector<16xf32>
      %add3A_20 = arith.addf %add3A_16, %mul3A_19 : vector<16xf32>
      %broadcast_in_dim3A_21 = arith.constant 1 : i32
      %broadcast_in_dim3A_22 = vector.broadcast %broadcast_in_dim3A_21 : i32 to vector<16xi32>
      %gather3A_23 = tpu.vector_load_idx %arg7[%add3A_12, %broadcast_in_dim3A_22] : memref<512x32xf32, #tpu.memory_space<vmem>>[vector<16xi32>, vector<16xi32>], vector<16xf32>,
      %gather3A_24 = tpu.vector_load_idx %arg8[%add3A_12, %broadcast_in_dim3A_22] : memref<512x32xf32, #tpu.memory_space<vmem>>[vector<16xi32>, vector<16xi32>], vector<16xf32>,
      %mul3A_25 = arith.mulf %gather3A_23, %gather3A_24 : vector<16xf32>
      %add3A_26 = arith.addf %add3A_20, %mul3A_25 : vector<16xf32>
      %broadcast_in_dim3A_27 = arith.constant 2 : i32
      %broadcast_in_dim3A_28 = vector.broadcast %broadcast_in_dim3A_27 : i32 to vector<16xi32>
      %gather3A_29 = tpu.vector_load_idx %arg7[%add3A_12, %broadcast_in_dim3A_28] : memref<512x32xf32, #tpu.memory_space<vmem>>[vector<16xi32>, vector<16xi32>], vector<16xf32>,
      %gather3A_30 = tpu.vector_load_idx %arg8[%add3A_12, %broadcast_in_dim3A_28] : memref<512x32xf32, #tpu.memory_space<vmem>>[vector<16xi32>, vector<16xi32>], vector<16xf32>,
      %mul3A_31 = arith.mulf %gather3A_29, %gather3A_30 : vector<16xf32>
      %add3A_32 = arith.addf %add3A_26, %mul3A_31 : vector<16xf32>
      %broadcast_in_dim3A_33 = arith.constant 3 : i32
      %broadcast_in_dim3A_34 = vector.broadcast %broadcast_in_dim3A_33 : i32 to vector<16xi32>
      %gather3A_35 = tpu.vector_load_idx %arg7[%add3A_12, %broadcast_in_dim3A_34] : memref<512x32xf32, #tpu.memory_space<vmem>>[vector<16xi32>, vector<16xi32>], vector<16xf32>,
      %gather3A_36 = tpu.vector_load_idx %arg8[%add3A_12, %broadcast_in_dim3A_34] : memref<512x32xf32, #tpu.memory_space<vmem>>[vector<16xi32>, vector<16xi32>], vector<16xf32>,
      %mul3A_37 = arith.mulf %gather3A_35, %gather3A_36 : vector<16xf32>
      %add3A_38 = arith.addf %add3A_32, %mul3A_37 : vector<16xf32>
      %broadcast_in_dim3A_39 = arith.constant 4 : i32
      %broadcast_in_dim3A_40 = vector.broadcast %broadcast_in_dim3A_39 : i32 to vector<16xi32>
      %gather3A_41 = tpu.vector_load_idx %arg7[%add3A_12, %broadcast_in_dim3A_40] : memref<512x32xf32, #tpu.memory_space<vmem>>[vector<16xi32>, vector<16xi32>], vector<16xf32>,
      %gather3A_42 = tpu.vector_load_idx %arg8[%add3A_12, %broadcast_in_dim3A_40] : memref<512x32xf32, #tpu.memory_space<vmem>>[vector<16xi32>, vector<16xi32>], vector<16xf32>,
      %mul3A_43 = arith.mulf %gather3A_41, %gather3A_42 : vector<16xf32>
      %add3A_44 = arith.addf %add3A_38, %mul3A_43 : vector<16xf32>
      %broadcast_in_dim3A_45 = arith.constant 5 : i32
      %broadcast_in_dim3A_46 = vector.broadcast %broadcast_in_dim3A_45 : i32 to vector<16xi32>
      %gather3A_47 = tpu.vector_load_idx %arg7[%add3A_12, %broadcast_in_dim3A_46] : memref<512x32xf32, #tpu.memory_space<vmem>>[vector<16xi32>, vector<16xi32>], vector<16xf32>,
      %gather3A_48 = tpu.vector_load_idx %arg8[%add3A_12, %broadcast_in_dim3A_46] : memref<512x32xf32, #tpu.memory_space<vmem>>[vector<16xi32>, vector<16xi32>], vector<16xf32>,
      %mul3A_49 = arith.mulf %gather3A_47, %gather3A_48 : vector<16xf32>
      %add3A_50 = arith.addf %add3A_44, %mul3A_49 : vector<16xf32>
      %broadcast_in_dim3A_51 = arith.constant 6 : i32
      %broadcast_in_dim3A_52 = vector.broadcast %broadcast_in_dim3A_51 : i32 to vector<16xi32>
      %gather3A_53 = tpu.vector_load_idx %arg7[%add3A_12, %broadcast_in_dim3A_52] : memref<512x32xf32, #tpu.memory_space<vmem>>[vector<16xi32>, vector<16xi32>], vector<16xf32>,
      %gather3A_54 = tpu.vector_load_idx %arg8[%add3A_12, %broadcast_in_dim3A_52] : memref<512x32xf32, #tpu.memory_space<vmem>>[vector<16xi32>, vector<16xi32>], vector<16xf32>,
      %mul3A_55 = arith.mulf %gather3A_53, %gather3A_54 : vector<16xf32>
      %add3A_56 = arith.addf %add3A_50, %mul3A_55 : vector<16xf32>
      %broadcast_in_dim3A_57 = arith.constant 7 : i32
      %broadcast_in_dim3A_58 = vector.broadcast %broadcast_in_dim3A_57 : i32 to vector<16xi32>
      %gather3A_59 = tpu.vector_load_idx %arg7[%add3A_12, %broadcast_in_dim3A_58] : memref<512x32xf32, #tpu.memory_space<vmem>>[vector<16xi32>, vector<16xi32>], vector<16xf32>,
      %gather3A_60 = tpu.vector_load_idx %arg8[%add3A_12, %broadcast_in_dim3A_58] : memref<512x32xf32, #tpu.memory_space<vmem>>[vector<16xi32>, vector<16xi32>], vector<16xf32>,
      %mul3A_61 = arith.mulf %gather3A_59, %gather3A_60 : vector<16xf32>
      %add3A_62 = arith.addf %add3A_56, %mul3A_61 : vector<16xf32>
      %broadcast_in_dim3A_63 = arith.constant 8 : i32
      %broadcast_in_dim3A_64 = vector.broadcast %broadcast_in_dim3A_63 : i32 to vector<16xi32>
      %gather3A_65 = tpu.vector_load_idx %arg7[%add3A_12, %broadcast_in_dim3A_64] : memref<512x32xf32, #tpu.memory_space<vmem>>[vector<16xi32>, vector<16xi32>], vector<16xf32>,
      %gather3A_66 = tpu.vector_load_idx %arg8[%add3A_12, %broadcast_in_dim3A_64] : memref<512x32xf32, #tpu.memory_space<vmem>>[vector<16xi32>, vector<16xi32>], vector<16xf32>,
      %mul3A_67 = arith.mulf %gather3A_65, %gather3A_66 : vector<16xf32>
      %add3A_68 = arith.addf %add3A_62, %mul3A_67 : vector<16xf32>
      %broadcast_in_dim3A_69 = arith.constant 9 : i32
      %broadcast_in_dim3A_70 = vector.broadcast %broadcast_in_dim3A_69 : i32 to vector<16xi32>
      %gather3A_71 = tpu.vector_load_idx %arg7[%add3A_12, %broadcast_in_dim3A_70] : memref<512x32xf32, #tpu.memory_space<vmem>>[vector<16xi32>, vector<16xi32>], vector<16xf32>,
      %gather3A_72 = tpu.vector_load_idx %arg8[%add3A_12, %broadcast_in_dim3A_70] : memref<512x32xf32, #tpu.memory_space<vmem>>[vector<16xi32>, vector<16xi32>], vector<16xf32>,
      %mul3A_73 = arith.mulf %gather3A_71, %gather3A_72 : vector<16xf32>
      %add3A_74 = arith.addf %add3A_68, %mul3A_73 : vector<16xf32>
      %broadcast_in_dim3A_75 = arith.constant 10 : i32
      %broadcast_in_dim3A_76 = vector.broadcast %broadcast_in_dim3A_75 : i32 to vector<16xi32>
      %gather3A_77 = tpu.vector_load_idx %arg7[%add3A_12, %broadcast_in_dim3A_76] : memref<512x32xf32, #tpu.memory_space<vmem>>[vector<16xi32>, vector<16xi32>], vector<16xf32>,
      %gather3A_78 = tpu.vector_load_idx %arg8[%add3A_12, %broadcast_in_dim3A_76] : memref<512x32xf32, #tpu.memory_space<vmem>>[vector<16xi32>, vector<16xi32>], vector<16xf32>,
      %mul3A_79 = arith.mulf %gather3A_77, %gather3A_78 : vector<16xf32>
      %add3A_80 = arith.addf %add3A_74, %mul3A_79 : vector<16xf32>
      %broadcast_in_dim3A_81 = arith.constant 11 : i32
      %broadcast_in_dim3A_82 = vector.broadcast %broadcast_in_dim3A_81 : i32 to vector<16xi32>
      %gather3A_83 = tpu.vector_load_idx %arg7[%add3A_12, %broadcast_in_dim3A_82] : memref<512x32xf32, #tpu.memory_space<vmem>>[vector<16xi32>, vector<16xi32>], vector<16xf32>,
      %gather3A_84 = tpu.vector_load_idx %arg8[%add3A_12, %broadcast_in_dim3A_82] : memref<512x32xf32, #tpu.memory_space<vmem>>[vector<16xi32>, vector<16xi32>], vector<16xf32>,
      %mul3A_85 = arith.mulf %gather3A_83, %gather3A_84 : vector<16xf32>
      %add3A_86 = arith.addf %add3A_80, %mul3A_85 : vector<16xf32>
      %broadcast_in_dim3A_87 = arith.constant 12 : i32
      %broadcast_in_dim3A_88 = vector.broadcast %broadcast_in_dim3A_87 : i32 to vector<16xi32>
      %gather3A_89 = tpu.vector_load_idx %arg7[%add3A_12, %broadcast_in_dim3A_88] : memref<512x32xf32, #tpu.memory_space<vmem>>[vector<16xi32>, vector<16xi32>], vector<16xf32>,
      %gather3A_90 = tpu.vector_load_idx %arg8[%add3A_12, %broadcast_in_dim3A_88] : memref<512x32xf32, #tpu.memory_space<vmem>>[vector<16xi32>, vector<16xi32>], vector<16xf32>,
      %mul3A_91 = arith.mulf %gather3A_89, %gather3A_90 : vector<16xf32>
      %add3A_92 = arith.addf %add3A_86, %mul3A_91 : vector<16xf32>
      %broadcast_in_dim3A_93 = arith.constant 13 : i32
      %broadcast_in_dim3A_94 = vector.broadcast %broadcast_in_dim3A_93 : i32 to vector<16xi32>
      %gather3A_95 = tpu.vector_load_idx %arg7[%add3A_12, %broadcast_in_dim3A_94] : memref<512x32xf32, #tpu.memory_space<vmem>>[vector<16xi32>, vector<16xi32>], vector<16xf32>,
      %gather3A_96 = tpu.vector_load_idx %arg8[%add3A_12, %broadcast_in_dim3A_94] : memref<512x32xf32, #tpu.memory_space<vmem>>[vector<16xi32>, vector<16xi32>], vector<16xf32>,
      %mul3A_97 = arith.mulf %gather3A_95, %gather3A_96 : vector<16xf32>
      %add3A_98 = arith.addf %add3A_92, %mul3A_97 : vector<16xf32>
      %broadcast_in_dim3A_99 = arith.constant 14 : i32
      %broadcast_in_dim3A_100 = vector.broadcast %broadcast_in_dim3A_99 : i32 to vector<16xi32>
      %gather3A_101 = tpu.vector_load_idx %arg7[%add3A_12, %broadcast_in_dim3A_100] : memref<512x32xf32, #tpu.memory_space<vmem>>[vector<16xi32>, vector<16xi32>], vector<16xf32>,
      %gather3A_102 = tpu.vector_load_idx %arg8[%add3A_12, %broadcast_in_dim3A_100] : memref<512x32xf32, #tpu.memory_space<vmem>>[vector<16xi32>, vector<16xi32>], vector<16xf32>,
      %mul3A_103 = arith.mulf %gather3A_101, %gather3A_102 : vector<16xf32>
      %add3A_104 = arith.addf %add3A_98, %mul3A_103 : vector<16xf32>
      %broadcast_in_dim3A_105 = arith.constant 15 : i32
      %broadcast_in_dim3A_106 = vector.broadcast %broadcast_in_dim3A_105 : i32 to vector<16xi32>
      %gather3A_107 = tpu.vector_load_idx %arg7[%add3A_12, %broadcast_in_dim3A_106] : memref<512x32xf32, #tpu.memory_space<vmem>>[vector<16xi32>, vector<16xi32>], vector<16xf32>,
      %gather3A_108 = tpu.vector_load_idx %arg8[%add3A_12, %broadcast_in_dim3A_106] : memref<512x32xf32, #tpu.memory_space<vmem>>[vector<16xi32>, vector<16xi32>], vector<16xf32>,
      %mul3A_109 = arith.mulf %gather3A_107, %gather3A_108 : vector<16xf32>
      %add3A_110 = arith.addf %add3A_104, %mul3A_109 : vector<16xf32>
      %broadcast_in_dim3A_111 = arith.constant 16 : i32
      %broadcast_in_dim3A_112 = vector.broadcast %broadcast_in_dim3A_111 : i32 to vector<16xi32>
      %gather3A_113 = tpu.vector_load_idx %arg7[%add3A_12, %broadcast_in_dim3A_112] : memref<512x32xf32, #tpu.memory_space<vmem>>[vector<16xi32>, vector<16xi32>], vector<16xf32>,
      %gather3A_114 = tpu.vector_load_idx %arg8[%add3A_12, %broadcast_in_dim3A_112] : memref<512x32xf32, #tpu.memory_space<vmem>>[vector<16xi32>, vector<16xi32>], vector<16xf32>,
      %mul3A_115 = arith.mulf %gather3A_113, %gather3A_114 : vector<16xf32>
      %add3A_116 = arith.addf %add3A_110, %mul3A_115 : vector<16xf32>
      %broadcast_in_dim3A_117 = arith.constant 17 : i32
      %broadcast_in_dim3A_118 = vector.broadcast %broadcast_in_dim3A_117 : i32 to vector<16xi32>
      %gather3A_119 = tpu.vector_load_idx %arg7[%add3A_12, %broadcast_in_dim3A_118] : memref<512x32xf32, #tpu.memory_space<vmem>>[vector<16xi32>, vector<16xi32>], vector<16xf32>,
      %gather3A_120 = tpu.vector_load_idx %arg8[%add3A_12, %broadcast_in_dim3A_118] : memref<512x32xf32, #tpu.memory_space<vmem>>[vector<16xi32>, vector<16xi32>], vector<16xf32>,
      %mul3A_121 = arith.mulf %gather3A_119, %gather3A_120 : vector<16xf32>
      %add3A_122 = arith.addf %add3A_116, %mul3A_121 : vector<16xf32>
      %broadcast_in_dim3A_123 = arith.constant 18 : i32
      %broadcast_in_dim3A_124 = vector.broadcast %broadcast_in_dim3A_123 : i32 to vector<16xi32>
      %gather3A_125 = tpu.vector_load_idx %arg7[%add3A_12, %broadcast_in_dim3A_124] : memref<512x32xf32, #tpu.memory_space<vmem>>[vector<16xi32>, vector<16xi32>], vector<16xf32>,
      %gather3A_126 = tpu.vector_load_idx %arg8[%add3A_12, %broadcast_in_dim3A_124] : memref<512x32xf32, #tpu.memory_space<vmem>>[vector<16xi32>, vector<16xi32>], vector<16xf32>,
      %mul3A_127 = arith.mulf %gather3A_125, %gather3A_126 : vector<16xf32>
      %add3A_128 = arith.addf %add3A_122, %mul3A_127 : vector<16xf32>
      %broadcast_in_dim3A_129 = arith.constant 19 : i32
      %broadcast_in_dim3A_130 = vector.broadcast %broadcast_in_dim3A_129 : i32 to vector<16xi32>
      %gather3A_131 = tpu.vector_load_idx %arg7[%add3A_12, %broadcast_in_dim3A_130] : memref<512x32xf32, #tpu.memory_space<vmem>>[vector<16xi32>, vector<16xi32>], vector<16xf32>,
      %gather3A_132 = tpu.vector_load_idx %arg8[%add3A_12, %broadcast_in_dim3A_130] : memref<512x32xf32, #tpu.memory_space<vmem>>[vector<16xi32>, vector<16xi32>], vector<16xf32>,
      %mul3A_133 = arith.mulf %gather3A_131, %gather3A_132 : vector<16xf32>
      %add3A_134 = arith.addf %add3A_128, %mul3A_133 : vector<16xf32>
      %broadcast_in_dim3A_135 = arith.constant 20 : i32
      %broadcast_in_dim3A_136 = vector.broadcast %broadcast_in_dim3A_135 : i32 to vector<16xi32>
      %gather3A_137 = tpu.vector_load_idx %arg7[%add3A_12, %broadcast_in_dim3A_136] : memref<512x32xf32, #tpu.memory_space<vmem>>[vector<16xi32>, vector<16xi32>], vector<16xf32>,
      %gather3A_138 = tpu.vector_load_idx %arg8[%add3A_12, %broadcast_in_dim3A_136] : memref<512x32xf32, #tpu.memory_space<vmem>>[vector<16xi32>, vector<16xi32>], vector<16xf32>,
      %mul3A_139 = arith.mulf %gather3A_137, %gather3A_138 : vector<16xf32>
      %add3A_140 = arith.addf %add3A_134, %mul3A_139 : vector<16xf32>
      %broadcast_in_dim3A_141 = arith.constant 21 : i32
      %broadcast_in_dim3A_142 = vector.broadcast %broadcast_in_dim3A_141 : i32 to vector<16xi32>
      %gather3A_143 = tpu.vector_load_idx %arg7[%add3A_12, %broadcast_in_dim3A_142] : memref<512x32xf32, #tpu.memory_space<vmem>>[vector<16xi32>, vector<16xi32>], vector<16xf32>,
      %gather3A_144 = tpu.vector_load_idx %arg8[%add3A_12, %broadcast_in_dim3A_142] : memref<512x32xf32, #tpu.memory_space<vmem>>[vector<16xi32>, vector<16xi32>], vector<16xf32>,
      %mul3A_145 = arith.mulf %gather3A_143, %gather3A_144 : vector<16xf32>
      %add3A_146 = arith.addf %add3A_140, %mul3A_145 : vector<16xf32>
      %broadcast_in_dim3A_147 = arith.constant 22 : i32
      %broadcast_in_dim3A_148 = vector.broadcast %broadcast_in_dim3A_147 : i32 to vector<16xi32>
      %gather3A_149 = tpu.vector_load_idx %arg7[%add3A_12, %broadcast_in_dim3A_148] : memref<512x32xf32, #tpu.memory_space<vmem>>[vector<16xi32>, vector<16xi32>], vector<16xf32>,
      %gather3A_150 = tpu.vector_load_idx %arg8[%add3A_12, %broadcast_in_dim3A_148] : memref<512x32xf32, #tpu.memory_space<vmem>>[vector<16xi32>, vector<16xi32>], vector<16xf32>,
      %mul3A_151 = arith.mulf %gather3A_149, %gather3A_150 : vector<16xf32>
      %add3A_152 = arith.addf %add3A_146, %mul3A_151 : vector<16xf32>
      %broadcast_in_dim3A_153 = arith.constant 23 : i32
      %broadcast_in_dim3A_154 = vector.broadcast %broadcast_in_dim3A_153 : i32 to vector<16xi32>
      %gather3A_155 = tpu.vector_load_idx %arg7[%add3A_12, %broadcast_in_dim3A_154] : memref<512x32xf32, #tpu.memory_space<vmem>>[vector<16xi32>, vector<16xi32>], vector<16xf32>,
      %gather3A_156 = tpu.vector_load_idx %arg8[%add3A_12, %broadcast_in_dim3A_154] : memref<512x32xf32, #tpu.memory_space<vmem>>[vector<16xi32>, vector<16xi32>], vector<16xf32>,
      %mul3A_157 = arith.mulf %gather3A_155, %gather3A_156 : vector<16xf32>
      %add3A_158 = arith.addf %add3A_152, %mul3A_157 : vector<16xf32>
      %broadcast_in_dim3A_159 = arith.constant 24 : i32
      %broadcast_in_dim3A_160 = vector.broadcast %broadcast_in_dim3A_159 : i32 to vector<16xi32>
      %gather3A_161 = tpu.vector_load_idx %arg7[%add3A_12, %broadcast_in_dim3A_160] : memref<512x32xf32, #tpu.memory_space<vmem>>[vector<16xi32>, vector<16xi32>], vector<16xf32>,
      %gather3A_162 = tpu.vector_load_idx %arg8[%add3A_12, %broadcast_in_dim3A_160] : memref<512x32xf32, #tpu.memory_space<vmem>>[vector<16xi32>, vector<16xi32>], vector<16xf32>,
      %mul3A_163 = arith.mulf %gather3A_161, %gather3A_162 : vector<16xf32>
      %add3A_164 = arith.addf %add3A_158, %mul3A_163 : vector<16xf32>
      %broadcast_in_dim3A_165 = arith.constant 25 : i32
      %broadcast_in_dim3A_166 = vector.broadcast %broadcast_in_dim3A_165 : i32 to vector<16xi32>
      %gather3A_167 = tpu.vector_load_idx %arg7[%add3A_12, %broadcast_in_dim3A_166] : memref<512x32xf32, #tpu.memory_space<vmem>>[vector<16xi32>, vector<16xi32>], vector<16xf32>,
      %gather3A_168 = tpu.vector_load_idx %arg8[%add3A_12, %broadcast_in_dim3A_166] : memref<512x32xf32, #tpu.memory_space<vmem>>[vector<16xi32>, vector<16xi32>], vector<16xf32>,
      %mul3A_169 = arith.mulf %gather3A_167, %gather3A_168 : vector<16xf32>
      %add3A_170 = arith.addf %add3A_164, %mul3A_169 : vector<16xf32>
      %broadcast_in_dim3A_171 = arith.constant 26 : i32
      %broadcast_in_dim3A_172 = vector.broadcast %broadcast_in_dim3A_171 : i32 to vector<16xi32>
      %gather3A_173 = tpu.vector_load_idx %arg7[%add3A_12, %broadcast_in_dim3A_172] : memref<512x32xf32, #tpu.memory_space<vmem>>[vector<16xi32>, vector<16xi32>], vector<16xf32>,
      %gather3A_174 = tpu.vector_load_idx %arg8[%add3A_12, %broadcast_in_dim3A_172] : memref<512x32xf32, #tpu.memory_space<vmem>>[vector<16xi32>, vector<16xi32>], vector<16xf32>,
      %mul3A_175 = arith.mulf %gather3A_173, %gather3A_174 : vector<16xf32>
      %add3A_176 = arith.addf %add3A_170, %mul3A_175 : vector<16xf32>
      %broadcast_in_dim3A_177 = arith.constant 27 : i32
      %broadcast_in_dim3A_178 = vector.broadcast %broadcast_in_dim3A_177 : i32 to vector<16xi32>
      %gather3A_179 = tpu.vector_load_idx %arg7[%add3A_12, %broadcast_in_dim3A_178] : memref<512x32xf32, #tpu.memory_space<vmem>>[vector<16xi32>, vector<16xi32>], vector<16xf32>,
      %gather3A_180 = tpu.vector_load_idx %arg8[%add3A_12, %broadcast_in_dim3A_178] : memref<512x32xf32, #tpu.memory_space<vmem>>[vector<16xi32>, vector<16xi32>], vector<16xf32>,
      %mul3A_181 = arith.mulf %gather3A_179, %gather3A_180 : vector<16xf32>
      %add3A_182 = arith.addf %add3A_176, %mul3A_181 : vector<16xf32>
      %broadcast_in_dim3A_183 = arith.constant 28 : i32
      %broadcast_in_dim3A_184 = vector.broadcast %broadcast_in_dim3A_183 : i32 to vector<16xi32>
      %gather3A_185 = tpu.vector_load_idx %arg7[%add3A_12, %broadcast_in_dim3A_184] : memref<512x32xf32, #tpu.memory_space<vmem>>[vector<16xi32>, vector<16xi32>], vector<16xf32>,
      %gather3A_186 = tpu.vector_load_idx %arg8[%add3A_12, %broadcast_in_dim3A_184] : memref<512x32xf32, #tpu.memory_space<vmem>>[vector<16xi32>, vector<16xi32>], vector<16xf32>,
      %mul3A_187 = arith.mulf %gather3A_185, %gather3A_186 : vector<16xf32>
      %add3A_188 = arith.addf %add3A_182, %mul3A_187 : vector<16xf32>
      %broadcast_in_dim3A_189 = arith.constant 29 : i32
      %broadcast_in_dim3A_190 = vector.broadcast %broadcast_in_dim3A_189 : i32 to vector<16xi32>
      %gather3A_191 = tpu.vector_load_idx %arg7[%add3A_12, %broadcast_in_dim3A_190] : memref<512x32xf32, #tpu.memory_space<vmem>>[vector<16xi32>, vector<16xi32>], vector<16xf32>,
      %gather3A_192 = tpu.vector_load_idx %arg8[%add3A_12, %broadcast_in_dim3A_190] : memref<512x32xf32, #tpu.memory_space<vmem>>[vector<16xi32>, vector<16xi32>], vector<16xf32>,
      %mul3A_193 = arith.mulf %gather3A_191, %gather3A_192 : vector<16xf32>
      %add3A_194 = arith.addf %add3A_188, %mul3A_193 : vector<16xf32>
      %broadcast_in_dim3A_195 = arith.constant 30 : i32
      %broadcast_in_dim3A_196 = vector.broadcast %broadcast_in_dim3A_195 : i32 to vector<16xi32>
      %gather3A_197 = tpu.vector_load_idx %arg7[%add3A_12, %broadcast_in_dim3A_196] : memref<512x32xf32, #tpu.memory_space<vmem>>[vector<16xi32>, vector<16xi32>], vector<16xf32>,
      %gather3A_198 = tpu.vector_load_idx %arg8[%add3A_12, %broadcast_in_dim3A_196] : memref<512x32xf32, #tpu.memory_space<vmem>>[vector<16xi32>, vector<16xi32>], vector<16xf32>,
      %mul3A_199 = arith.mulf %gather3A_197, %gather3A_198 : vector<16xf32>
      %add3A_200 = arith.addf %add3A_194, %mul3A_199 : vector<16xf32>
      %broadcast_in_dim3A_201 = arith.constant 31 : i32
      %broadcast_in_dim3A_202 = vector.broadcast %broadcast_in_dim3A_201 : i32 to vector<16xi32>
      %gather3A_203 = tpu.vector_load_idx %arg7[%add3A_12, %broadcast_in_dim3A_202] : memref<512x32xf32, #tpu.memory_space<vmem>>[vector<16xi32>, vector<16xi32>], vector<16xf32>,
      %gather3A_204 = tpu.vector_load_idx %arg8[%add3A_12, %broadcast_in_dim3A_202] : memref<512x32xf32, #tpu.memory_space<vmem>>[vector<16xi32>, vector<16xi32>], vector<16xf32>,
      %mul3A_205 = arith.mulf %gather3A_203, %gather3A_204 : vector<16xf32>
      %add3A_206 = arith.addf %add3A_200, %mul3A_205 : vector<16xf32>
      %swap3A = arith.index_cast %mul3A_10 : i32 to index
      %swap3A_207 = tpu.vector_load %arg11[%swap3A] {strides = array<i32>} : memref<512xf32, #tpu.memory_space<vmem>>, vector<16xf32>,
      tpu.vector_store %arg11[%swap3A], %add3A_206 {strides = array<i32>} : memref<512xf32, #tpu.memory_space<vmem>>, vector<16xf32>,
    }
    %scan3A_7 = arith.constant 32 : i32
    "tpu.region"() ({
      %run_scoped3A = tpu.sem_alloc : memref<!tpu.dma_semaphore, #tpu.memory_space<semaphore_mem>>
      %dma_start3A = tpu.memref_slice %arg6[%mul3A_2] : memref<16384xf32, #tpu.memory_space<hbm>> -> memref<512xf32, #tpu.memory_space<hbm>>
      %dma_start3A_8 = tpu.memref_slice %arg6[%mul3A_2] : memref<16384xf32, #tpu.memory_space<hbm>> -> memref<512xf32, #tpu.memory_space<hbm>>
      tpu.enqueue_dma source(%arg11 : memref<512xf32, #tpu.memory_space<vmem>>) target(%dma_start3A_8 : memref<512xf32, #tpu.memory_space<hbm>>) target_semaphore(%run_scoped3A : memref<!tpu.dma_semaphore, #tpu.memory_space<semaphore_mem>>)
      %dma_wait3A = tpu.memref_slice %arg6[%mul3A_2] : memref<16384xf32, #tpu.memory_space<hbm>> -> memref<512xf32, #tpu.memory_space<hbm>>
      %dma_wait3A_9 = tpu.memref_slice %arg6[%mul3A_2] : memref<16384xf32, #tpu.memory_space<hbm>> -> memref<512xf32, #tpu.memory_space<hbm>>
      tpu.wait_dma2 semaphore(%run_scoped3A : memref<!tpu.dma_semaphore, #tpu.memory_space<semaphore_mem>>) src(%arg11 : memref<512xf32, #tpu.memory_space<vmem>>) dst(%dma_wait3A_9 : memref<512xf32, #tpu.memory_space<hbm>>)
      tpu.yield
    }) : () -> ()
    return
  }
}

</mosaic_0001>

<sc_bundles>
// kernel: kernel.11.cloned.1.call-start
scs
__scs_entry_jumppad:
0x0: {  	(pc) =	sbr.rel $0x88, $3  }
0x1: {  	(tag) =	ssettag $0x0;
	lr =	simm.s32 $0x1  }
0x2: {  	[smem:$0x3F9B] =	sst lr;
	_ =	strace $0xD0000000  }
0x3: {  	_ = 	snop  }
0x4: {  	_ = 	snop  }
0x5: {  	_ = 	snop  }
0x6: {  	_ = 	snop  }
0x7: {  	_ = 	snop  }
__scs_overlays_trampoline_lowered:
0x8: {  	[smem:$0x3FAA] =	sst s0  }
0x9: {  	[smem:$0x3FAB] =	sst s1  }
0xa: {  	[smem:$0x3FAC] =	sst s2  }
0xb: {  	[smem:$0x3FAD] =	sst s3  }
0xc: {  	[smem:$0x3FAE] =	sst s4  }
0xd: {  	[smem:$0x3FAF] =	sst s5  }
0xe: {  	[smem:$0x3FB0] =	sst s6  }
0xf: {  	[smem:$0x3FB1] =	sst s7  }
0x10: {  	[smem:$0x3FB2] =	sst s8  }
0x11: {  	[smem:$0x3FB3] =	sst s9;
	s0 =	simm.s32 @!p0 $0x0  }
0x12: {  	s1 =	sld [smem:$0x3F99];
	s0 =	simm.s32 @p0 $0x1  }
0x13: {  	[smem:$0x3FB4] =	sst s0;
	s0 =	simm.s32 @!p1 $0x0  }
0x14: {  	s2 =	sld [smem:$0x3F98];
	s0 =	simm.s32 @p1 $0x1  }
0x15: {  	[smem:$0x3FB5] =	sst s0;
	s0 =	simm.s32 @!p2 $0x0  }
0x16: {  	s3 =	sld [smem:$0x3FDB];
	s0 =	simm.s32 @p2 $0x1  }
0x17: {  	s4 =	simm.s32 $0x1BF5;
	[smem:$0x3FB7] =	sst s0  }
0x18: {  	s0 =	sld [smem:$0x3F9A];
	_ =	swait.ge [sflag:s4], $0x0  }
0x19: {  	s7 =	sld [smem:$0x3F9B]  }
0x1a: {  	s8 =	sadd.s32 $0xFFFFE003, lr  }
0x1b: {  	s9 =	sadd.s32 $0xFFFFFEF7, lr;
	s5 =	simm.s32 $0xFFFFFFFF;
	p2 =	slt.u32 s8, $0xFFFFF086  }
0x1c: {  	p1 =	slt.u32 s9, $0xF7A;
	s5 =	simm.s32 @!p2 $0x0  }
0x1d: {  	s5 =	simm.s32 @p1 $0x1;
	p0 =	seq.s32 s7, s2  }
0x1e: {  	s7 =	smul.u32 @!p0 $0xF7A, s2;
	p2 =	seq.s32 @!p0 s5, $0x0  }
0x1f: {  	s9 =	smul.u32 $0xF7A, s1;
	s8 =	simm.s32 @!p0 $0x1BF5;
	p2 =	por !p2, p0  }
0x20: {  	[sflag:s8] =	ssyncset.s32 @!p0 $0xFFFFF086;
	s6 =	sadd.s32 @!p0 s3, s7;
	s7 =	simm.s32 @!p0 $0x108  }
0x21: {  	s3 =	sadd.s32 s3, s9;
	s6 =	sadd.s32 @!p0 $0x88, s6;
	s7 =	simm.s32 @p2 $0x1082  }
0x22: {  	[simem:s7], [sflag:s8] =	dma.local @!p0 [hbm:s6], $0xF7A  }
0x23: {  	s9 =	sor.u32 $0xD0000000, s2;
	s6 =	simm.s32 $0x108;
	_ =	swait.ge @!p0 [sflag:s8], $0x0  }
0x24: {  	s3 =	sadd.s32 $0x88, s3;
	s6 =	simm.s32 @!p1 $0x1082;
	[sflag:s4] =	ssyncset.s32 $0xFFFFF086  }
0x25: {  	[simem:s6], [sflag:s4] =	dma.local [hbm:s3], $0xF7A  }
0x26: {  	[smem:$0x3F9B] =	sst s1;
	(tag) =	ssettag s2;
	_ =	strace s9  }
0x27: {  	s1 =	sld [smem:$0x3FAB]  }
0x28: {  	s2 =	sld [smem:$0x3FAC]  }
0x29: {  	s4 =	sld [smem:$0x3FAE]  }
0x2a: {  	p0 =	seq.s32 s5, $0x0;
	s5 =	sld [smem:$0x3FAF]  }
0x2b: {  	s6 =	sld [smem:$0x3FB0]  }
0x2c: {  	s7 =	sld [smem:$0x3FB1]  }
0x2d: {  	s3 =	simm.s32 $0x108;
	s8 =	sld [smem:$0x3FB2]  }
0x2e: {  	s3 =	simm.s32 @!p0 $0x1082;
	s9 =	sld [smem:$0x3FB3]  }
0x2f: {  	lr =	sadd.s32 s0, s3;
	s0 =	sld [smem:$0x3FAA]  }
0x30: {  	s3 =	sld [smem:$0x3FAD]  }
0x31: {  	[smem:$0x3FB6] =	sst s10  }
0x32: {  	s10 =	sld [smem:$0x3FB4];
	_ =	sdelay $0x3  }
0x33: {  	p0 =	seq.s32 s10, $0x1;
	s10 =	sld [smem:$0x3FB6];
	_ =	sdelay $0x3  }
0x34: {  	[smem:$0x3FB6] =	sst s10  }
0x35: {  	s10 =	sld [smem:$0x3FB5];
	_ =	sdelay $0x3  }
0x36: {  	p1 =	seq.s32 s10, $0x1;
	s10 =	sld [smem:$0x3FB6];
	_ =	sdelay $0x3  }
0x37: {  	[smem:$0x3FB6] =	sst s10  }
0x38: {  	s10 =	sld [smem:$0x3FB7]  }
0x39: {  	_ = 	snop;
	(pc) =	sbr.ind lr, $3  }
0x3a: {  	_ = 	snop  }
0x3b: {  	_ = 	snop  }
0x3c: {  	p2 =	seq.s32 s10, $0x1;
	s10 =	sld [smem:$0x3FB6]  }
0x3d: {  	_ =	shalt  }
0x3e: {  	_ =	shalt  }
0x3f: {  	_ =	shalt  }
0x40: {  	_ =	shalt  }
0x41: {  	_ =	shalt  }
0x42: {  	_ =	shalt  }
0x43: {  	_ =	shalt  }
0x44: {  	_ =	shalt  }
0x45: {  	_ =	shalt  }
0x46: {  	_ =	shalt  }
0x47: {  	_ =	shalt  }
0x48: {  	_ =	shalt  }
0x49: {  	_ =	shalt  }
0x4a: {  	_ =	shalt  }
0x4b: {  	_ =	shalt  }
0x4c: {  	_ =	shalt  }
0x4d: {  	_ =	shalt  }
0x4e: {  	_ =	shalt  }
0x4f: {  	_ =	shalt  }
0x50: {  	_ =	shalt  }
0x51: {  	_ =	shalt  }
0x52: {  	_ =	shalt  }
0x53: {  	_ =	shalt  }
0x54: {  	_ =	shalt  }
0x55: {  	_ =	shalt  }
0x56: {  	_ =	shalt  }
0x57: {  	_ =	shalt  }
0x58: {  	_ =	shalt  }
0x59: {  	_ =	shalt  }
0x5a: {  	_ =	shalt  }
0x5b: {  	_ =	shalt  }
0x5c: {  	_ =	shalt  }
0x5d: {  	_ =	shalt  }
0x5e: {  	_ =	shalt  }
0x5f: {  	_ =	shalt  }
0x60: {  	_ =	shalt  }
0x61: {  	_ =	shalt  }
0x62: {  	_ =	shalt  }
0x63: {  	_ =	shalt  }
0x64: {  	_ =	shalt  }
0x65: {  	_ =	shalt  }
0x66: {  	_ =	shalt  }
0x67: {  	_ =	shalt  }
0x68: {  	_ =	shalt  }
0x69: {  	_ =	shalt  }
0x6a: {  	_ =	shalt  }
0x6b: {  	_ =	shalt  }
0x6c: {  	_ =	shalt  }
0x6d: {  	_ =	shalt  }
0x6e: {  	_ =	shalt  }
0x6f: {  	_ =	shalt  }
0x70: {  	_ =	shalt  }
0x71: {  	_ =	shalt  }
0x72: {  	_ =	shalt  }
0x73: {  	_ =	shalt  }
0x74: {  	_ =	shalt  }
0x75: {  	_ =	shalt  }
0x76: {  	_ =	shalt  }
0x77: {  	_ =	shalt  }
0x78: {  	_ =	shalt  }
0x79: {  	_ =	shalt  }
0x7a: {  	_ =	shalt  }
0x7b: {  	_ =	shalt  }
0x7c: {  	_ =	shalt  }
0x7d: {  	_ =	shalt  }
0x7e: {  	_ =	shalt  }
0x7f: {  	_ =	shalt  }
0x80: {  	_ =	shalt  }
0x81: {  	_ =	shalt  }
0x82: {  	_ =	shalt  }
0x83: {  	_ =	shalt  }
0x84: {  	_ =	shalt  }
0x85: {  	_ =	shalt  }
0x86: {  	_ =	shalt  }
0x87: {  	_ =	shalt  }
.Lfunc_end0:
.L_simem_size_0:
called_computation.2_lowered:
.L_overlay_start_0:
0x88: {  	s2 =	sld [smem:$0x3FD9]  }
0x89: {  	s3 =	sld [smem:$0x3FFE];
	_ =	sdelay $0x1  }
0x8a: {  	s1 =	srdreg.scid  }
0x8b: {  	s0 =	sand.u32 $0x1, s1  }
0x8c: {  	s17 =	sshll.u32 s0, $0xA;
	s2 =	sadd.s32 s3, s2  }
0x8d: {  	s2 =	sadd.s32 s2, s17  }
0x8e: {  	[smem:$0x3FC2] =	sst s2  }
0x8f: {  	_ = 	snop  }
0x90: {  	s2 =	sld [smem:$0x3FD0];
	(tm) =	ssettm $0x1  }
0x91: {  	s18 =	sld [smem:$0x3FFB];
	_ =	sdelay $0x3  }
0x92: {  	_ =	strace s18  }
0x93: {  	s3 =	sld [smem:$0x3FFC];
	_ =	sdelay $0x3  }
0x94: {  	_ =	strace s3  }
0x95: {  	s3 =	sld [smem:$0x3FFD];
	_ =	sdelay $0x3  }
0x96: {  	_ =	strace s3  }
0x97: {  	_ =	strace $0x8FFFFFFF  }
0x98: {  	s19 =	sld [smem:$0x3FDB];
	_ =	sdelay $0x1  }
0x99: {  	s4 =	simm.s32 $_scs_section_size  }
0x9a: {  	s5 =	simm.s32 $_size__tile_overlayer_lowered;
	s6 =	simm.s32 $_tile_overlayer_lowered  }
0x9b: {  	s22 =	simm.s32 $0x1BFF;
	s21 =	sshll.u32 s6, $0x1;
	s3 =	sadd.s32 s4, s19  }
0x9c: {  	s7 =	simm.s32 $0x0;
	s20 =	sshll.u32 s5, $0x1;
	s5 =	sadd.s32 s21, s3  }
0x9d: {  	[timem:s7], [sflag:s22] =	dma.local [hbm:s5], s20  }
0x9e: {  	_ =	swait.ge [sflag:s22], s20  }
0x9f: {  	s4 =	ssub.s32 $0x0, s20;
	[sflag:s22] =	ssyncset.done $0x0  }
0xa0: {  	[sflag:s22] =	ssyncadd.s32 s4;
	_ =	sdelay $0x1  }
0xa1: {  	s23 =	simm.s32 $0x1B8B  }
0xa2: {  	_ =	swait.ge [sflag:s23], $0x1  }
0xa3: {  	[sflag:s23] =	ssyncset.done $0x0  }
0xa4: {  	s25 =	simm.s32 $0x1B8E;
	s24 =	sld [smem:$0x3FFE];
	[sflag:s23] =	ssyncadd.s32 $0xFFFFFFFF  }
0xa5: {  	s26 =	simm.s32 $execute0_lowered;
	[smem:$0x3FD2] =	sst s25  }
0xa6: {  	s5 =	sshll.u32 s26, $0x1;
	_ =	strace $0x8000004C;
	[dreg:$0x1] =	wrdreg $0xFFFFFFFF  }
0xa7: {  	s28 =	simm.s32 $_size_execute0_lowered;
	s3 =	sadd.s32 s3, s5;
	[dreg:$0x0] =	wrdreg $0x0  }
0xa8: {  	s5 =	sshll.u32 s28, $0x1;
	[dreg:$0x2] =	wrdreg s3  }
0xa9: {  	[dreg:$0x3] =	wrdreg s5  }
0xaa: {  	[dreg:$0x4] =	wrdreg $0xC0  }
0xab: {  	_ =	task [dreg:s7], $0x5FFFF  }
0xac: {  	[dreg:$0x1] =	wrdreg $0xFFFFFFFF  }
0xad: {  	[dreg:$0x0] =	wrdreg $0x60  }
0xae: {  	[dreg:$0x2] =	wrdreg s24  }
0xaf: {  	[dreg:$0x3] =	wrdreg s2  }
0xb0: {  	[dreg:$0x4] =	wrdreg $0x9  }
0xb1: {  	_ =	task.clear_ibuf [dreg:s7], $0x5FFFF;
	_ =	strace $0x9000004C  }
0xb2: {  	s29 =	simm.s32 $0x9;
	_ =	strace $0x8000004E  }
0xb3: {  	_ =	swait.ge [sflag:s29], $0x1  }
0xb4: {  	[sflag:s29] =	ssyncadd.s32 $0xFFFFFFFF  }
0xb5: {  	_ =	strace $0x9000004E  }
0xb6: {  	_ =	sfence  }
0xb7: {  	s30 =	sld [smem:$0x0];
	_ =	sdelay $0x2  }
0xb8: {  	s31 =	sshll.u32 s1, $0xD;
	s1 =	sshrl.u32 s1, $0x2  }
0xb9: {  	s3 =	sand.u32 $0x4000, s31;
	s1 =	sadd.s32 s1, s30  }
0xba: {  	s0 =	sor.u32 s3, s0;
	s1 =	sshll.u32 s1, $0x11  }
0xbb: {  	s0 =	sor.u32 s1, s0  }
0xbc: {  	s0 =	sadd.s32 $0x8F2B, s0  }
0xbd: {  	[sflag:s0] =	ssyncadd.remote.s32 $0x1  }
0xbe: {  	_ =	sfence.sel $0xFFFF  }
0xbf: {  	[dreg:$0x0] =	wrdreg $0xFFFFFFFF;
	(pc) =	sbr.abs _section_cstart, $3  }
0xc0: {  	[dreg:$0x1] =	wrdreg $0xFFFFFFFF  }
0xc1: {  	_ =	task.clear_ibuf [dreg:s7], $0x2FFFF;
	_ =	strace $0x9FFFFFFF  }
0xc2: {  	(tm) =	ssettm $0x7FFFFFFF  }
0xc3: {  	_ =	shalt  }
tec
execute0_lowered:
.L_overlay_start_1:
0x0: {  	(tag) =	ssettag $0x1  }
0x1: {  	s3 =	rddreg [dreg:$0x0]  }
0x2: {  	s7 =	rddreg [dreg:$0x1];
	s2 =	srdreg.scid  }
0x3: {  	s0 =	rddreg [dreg:$0x2];
	s1 =	stileid.u32  }
0x4: {  	s11 =	simm.s32 $0x8400;
	s12 =	simm.s32 $0x0;
	s4 =	sand.u32 $0x1, s2  }
0x5: {  	s2 =	simm.s32 $0x0;
	s5 =	sshll.u32 s1, $0xA;
	s6 =	sshll.u32 s4, $0x9  }
0x6: {  	[smem:$0x7FF] =	sst s2;
	s4 =	ssub.s32 $0x2, s4;
	s5 =	sor.u32 s6, s5  }
0x7: {  	_ =	strace $0x8000004D;
	s31 =	sshrl.u32 s4, $0x1;
	s6 =	sshll.u32 s5, $0x2  }
0x8: {  	s8 =	sshrl.u32 s5, $0x3;
	s10 =	ssub.s32 s4, s31;
	s6 =	sadd.s32 s6, s3  }
0x9: {  	s9 =	sadd.s32 s8, s3;
	s7 =	sadd.s32 s7, s8;
	s8 =	smax.u32 s10, $0x1  }
0xa: {  	v0 =	vlaneseq.u32;
	s10 =	simm.s32 $0x4000;
	s3 =	sadd.s32 $0x41F400, s6;
	s4 =	sadd.s32 $0x1F800, s6  }
0xb: {  	v0 =	vmul.u32 $0x20, v0;
	s5 =	sadd.s32 $0x42F400, s9;
	s6 =	sadd.s32 $0x2F800, s9;
	s9 =	simm.s32 $0x1  }
.LBB2_1:
0xc: {  	[tilespmem:s2], [sflag:$0x1] =	stream.linear.gather [hbm4b:s3+s2], $0x4000, $0x38;
	[tilespmem:$0x8600] =	vst v63  }
0xd: {  	_ =	swait.ge [sflag:s9], $0x4000  }
0xe: {  	[sflag:s9] =	ssyncset.done $0x0  }
0xf: {  	[sflag:s9] =	ssyncadd.s32 $0xFFFFC000  }
0x10: {  	[tilespmem:s10], [sflag:$0x1] =	stream.linear.gather [hbm4b:s4+s2], $0x4000, $0x38;
	[tilespmem:$0x8600] =	vst v63  }
0x11: {  	_ =	swait.ge [sflag:s9], $0x4000  }
0x12: {  	[sflag:s9] =	ssyncset.done $0x0  }
0x13: {  	s13 =	simm.s32 $0x8000;
	[sflag:s9] =	ssyncadd.s32 $0xFFFFC000  }
0x14: {  	[tilespmem:s13], [sflag:$0x1] =	stream.linear.gather [hbm4b:s5+s2], $0x200, $0x38;
	[tilespmem:$0x8600] =	vst v63  }
0x15: {  	_ =	swait.ge [sflag:s9], $0x200  }
0x16: {  	v1 =	vmov s2;
	[sflag:s9] =	ssyncset.done $0x0  }
0x17: {  	s14 =	simm.s32 $0x8200;
	v1 =	vshll.u32 v1, $0x5;
	[sflag:s9] =	ssyncadd.s32 $0xFFFFFE00  }
0x18: {  	v1 =	vor.u32 v0, v1;
	[tilespmem:s14], [sflag:$0x1] =	stream.linear.gather [hbm4b:s6+s2], $0x200, $0x38;
	[tilespmem:$0x8600] =	vst v63  }
0x19: {  	_ =	swait.ge [sflag:s9], $0x200  }
0x1a: {  	[sflag:s9] =	ssyncset.done $0x0  }
0x1b: {  	v2 =	vor.u32 $0x1, v1;
	[sflag:s9] =	ssyncadd.s32 $0xFFFFFE00  }
0x1c: {  	v3 =	vld [tilespmem:s14+$0x0]  }
0x1d: {  	v4 =	vor.u32 $0x2, v1;
	v5 =	vld.idx.msk [tilespmem:v1+s2+$0x0], $0xffff  }
0x1e: {  	v6 =	vld.idx.msk [tilespmem:v1+s10+$0x0], $0xffff  }
0x1f: {  	v7 =	vor.u32 $0x3, v1;
	v8 =	vld [tilespmem:s13+$0x0]  }
0x20: {  	v9 =	vld.idx.msk [tilespmem:v2+s2+$0x0], $0xffff  }
0x21: {  	v10 =	vor.u32 $0x4, v1;
	v2 =	vld.idx.msk [tilespmem:v2+s10+$0x0], $0xffff  }
0x22: {  	v11 =	vld.idx.msk [tilespmem:v4+s2+$0x0], $0xffff  }
0x23: {  	v12 =	vor.u32 $0x5, v1;
	v4 =	vld.idx.msk [tilespmem:v4+s10+$0x0], $0xffff  }
0x24: {  	v13 =	vld.idx.msk [tilespmem:v7+s2+$0x0], $0xffff;
	v3 =	vadd.f32 v3, v8;
	v5 =	vmul.f32 v6, v5  }
0x25: {  	v6 =	vld.idx.msk [tilespmem:v7+s10+$0x0], $0xffff;
	v7 =	vor.u32 $0x6, v1  }
0x26: {  	v20 =	vld.idx.msk [tilespmem:v10+s2+$0x0], $0xffff;
	v2 =	vmul.f32 v2, v9;
	v3 =	vadd.f32 v5, v3  }
0x27: {  	v21 =	vor.u32 $0x7, v1;
	v5 =	vld.idx.msk [tilespmem:v10+s10+$0x0], $0xffff  }
0x28: {  	v22 =	vld.idx.msk [tilespmem:v12+s2+$0x0], $0xffff;
	v2 =	vadd.f32 v2, v3;
	v3 =	vmul.f32 v4, v11  }
0x29: {  	v23 =	vor.u32 $0x8, v1;
	v4 =	vld.idx.msk [tilespmem:v12+s10+$0x0], $0xffff  }
0x2a: {  	v24 =	vld.idx.msk [tilespmem:v7+s2+$0x0], $0xffff;
	v2 =	vadd.f32 v3, v2;
	v3 =	vmul.f32 v6, v13  }
0x2b: {  	v6 =	vld.idx.msk [tilespmem:v7+s10+$0x0], $0xffff;
	v7 =	vor.u32 $0x9, v1  }
0x2c: {  	v25 =	vld.idx.msk [tilespmem:v21+s2+$0x0], $0xffff;
	v2 =	vadd.f32 v3, v2;
	v3 =	vmul.f32 v5, v20  }
0x2d: {  	v26 =	vor.u32 $0xA, v1;
	v5 =	vld.idx.msk [tilespmem:v21+s10+$0x0], $0xffff  }
0x2e: {  	v27 =	vld.idx.msk [tilespmem:v23+s2+$0x0], $0xffff;
	v2 =	vadd.f32 v3, v2;
	v3 =	vmul.f32 v4, v22  }
0x2f: {  	v28 =	vor.u32 $0xB, v1;
	v4 =	vld.idx.msk [tilespmem:v23+s10+$0x0], $0xffff  }
0x30: {  	v29 =	vld.idx.msk [tilespmem:v7+s2+$0x0], $0xffff;
	v2 =	vadd.f32 v3, v2;
	v3 =	vmul.f32 v6, v24  }
0x31: {  	v6 =	vld.idx.msk [tilespmem:v7+s10+$0x0], $0xffff;
	v7 =	vor.u32 $0xC, v1  }
0x32: {  	v30 =	vld.idx.msk [tilespmem:v26+s2+$0x0], $0xffff;
	v2 =	vadd.f32 v3, v2;
	v3 =	vmul.f32 v5, v25  }
0x33: {  	v31 =	vor.u32 $0xD, v1;
	v5 =	vld.idx.msk [tilespmem:v26+s10+$0x0], $0xffff  }
0x34: {  	v32 =	vld.idx.msk [tilespmem:v28+s2+$0x0], $0xffff;
	v2 =	vadd.f32 v3, v2;
	v3 =	vmul.f32 v4, v27  }
0x35: {  	v33 =	vor.u32 $0xE, v1;
	v4 =	vld.idx.msk [tilespmem:v28+s10+$0x0], $0xffff  }
0x36: {  	v34 =	vld.idx.msk [tilespmem:v7+s2+$0x0], $0xffff;
	v2 =	vadd.f32 v3, v2;
	v3 =	vmul.f32 v6, v29  }
0x37: {  	v6 =	vld.idx.msk [tilespmem:v7+s10+$0x0], $0xffff;
	v7 =	vor.u32 $0xF, v1  }
0x38: {  	v35 =	vld.idx.msk [tilespmem:v31+s2+$0x0], $0xffff;
	v2 =	vadd.f32 v3, v2;
	v3 =	vmul.f32 v5, v30  }
0x39: {  	v36 =	vor.u32 $0x10, v1;
	v5 =	vld.idx.msk [tilespmem:v31+s10+$0x0], $0xffff  }
0x3a: {  	v37 =	vld.idx.msk [tilespmem:v33+s2+$0x0], $0xffff;
	v2 =	vadd.f32 v3, v2;
	v3 =	vmul.f32 v4, v32  }
0x3b: {  	v38 =	vor.u32 $0x11, v1;
	v4 =	vld.idx.msk [tilespmem:v33+s10+$0x0], $0xffff  }
0x3c: {  	v39 =	vld.idx.msk [tilespmem:v7+s2+$0x0], $0xffff;
	v2 =	vadd.f32 v3, v2;
	v3 =	vmul.f32 v6, v34  }
0x3d: {  	v6 =	vld.idx.msk [tilespmem:v7+s10+$0x0], $0xffff;
	v7 =	vor.u32 $0x12, v1  }
0x3e: {  	v40 =	vld.idx.msk [tilespmem:v36+s2+$0x0], $0xffff;
	v2 =	vadd.f32 v3, v2;
	v3 =	vmul.f32 v5, v35  }
0x3f: {  	v41 =	vor.u32 $0x13, v1;
	v5 =	vld.idx.msk [tilespmem:v36+s10+$0x0], $0xffff  }
0x40: {  	v42 =	vld.idx.msk [tilespmem:v38+s2+$0x0], $0xffff;
	v2 =	vadd.f32 v3, v2;
	v3 =	vmul.f32 v4, v37  }
0x41: {  	v43 =	vor.u32 $0x14, v1;
	v4 =	vld.idx.msk [tilespmem:v38+s10+$0x0], $0xffff  }
0x42: {  	v44 =	vld.idx.msk [tilespmem:v7+s2+$0x0], $0xffff;
	v2 =	vadd.f32 v3, v2;
	v3 =	vmul.f32 v6, v39  }
0x43: {  	v6 =	vld.idx.msk [tilespmem:v7+s10+$0x0], $0xffff;
	v7 =	vor.u32 $0x15, v1  }
0x44: {  	v45 =	vld.idx.msk [tilespmem:v41+s2+$0x0], $0xffff;
	v2 =	vadd.f32 v3, v2;
	v3 =	vmul.f32 v5, v40  }
0x45: {  	v46 =	vor.u32 $0x16, v1;
	v5 =	vld.idx.msk [tilespmem:v41+s10+$0x0], $0xffff  }
0x46: {  	v47 =	vld.idx.msk [tilespmem:v43+s2+$0x0], $0xffff;
	v2 =	vadd.f32 v3, v2;
	v3 =	vmul.f32 v4, v42  }
0x47: {  	v48 =	vor.u32 $0x17, v1;
	v4 =	vld.idx.msk [tilespmem:v43+s10+$0x0], $0xffff  }
0x48: {  	v49 =	vld.idx.msk [tilespmem:v7+s2+$0x0], $0xffff;
	v2 =	vadd.f32 v3, v2;
	v3 =	vmul.f32 v6, v44  }
0x49: {  	v6 =	vld.idx.msk [tilespmem:v7+s10+$0x0], $0xffff;
	v7 =	vor.u32 $0x18, v1  }
0x4a: {  	v50 =	vld.idx.msk [tilespmem:v46+s2+$0x0], $0xffff;
	v2 =	vadd.f32 v3, v2;
	v3 =	vmul.f32 v5, v45  }
0x4b: {  	v51 =	vor.u32 $0x19, v1;
	v5 =	vld.idx.msk [tilespmem:v46+s10+$0x0], $0xffff  }
0x4c: {  	v52 =	vld.idx.msk [tilespmem:v48+s2+$0x0], $0xffff;
	v2 =	vadd.f32 v3, v2;
	v3 =	vmul.f32 v4, v47  }
0x4d: {  	v53 =	vor.u32 $0x1A, v1;
	v4 =	vld.idx.msk [tilespmem:v48+s10+$0x0], $0xffff  }
0x4e: {  	v54 =	vld.idx.msk [tilespmem:v7+s2+$0x0], $0xffff;
	v2 =	vadd.f32 v3, v2;
	v3 =	vmul.f32 v6, v49  }
0x4f: {  	v6 =	vld.idx.msk [tilespmem:v7+s10+$0x0], $0xffff;
	v7 =	vor.u32 $0x1B, v1  }
0x50: {  	v55 =	vld.idx.msk [tilespmem:v51+s2+$0x0], $0xffff;
	v2 =	vadd.f32 v3, v2;
	v3 =	vmul.f32 v5, v50  }
0x51: {  	v56 =	vor.u32 $0x1C, v1;
	v5 =	vld.idx.msk [tilespmem:v51+s10+$0x0], $0xffff  }
0x52: {  	v57 =	vld.idx.msk [tilespmem:v53+s2+$0x0], $0xffff;
	v2 =	vadd.f32 v3, v2;
	v3 =	vmul.f32 v4, v52  }
0x53: {  	v58 =	vor.u32 $0x1D, v1;
	v4 =	vld.idx.msk [tilespmem:v53+s10+$0x0], $0xffff  }
0x54: {  	v59 =	vld.idx.msk [tilespmem:v7+s2+$0x0], $0xffff;
	v2 =	vadd.f32 v3, v2;
	v3 =	vmul.f32 v6, v54  }
0x55: {  	v6 =	vld.idx.msk [tilespmem:v7+s10+$0x0], $0xffff;
	v7 =	vor.u32 $0x1E, v1  }
0x56: {  	v60 =	vld.idx.msk [tilespmem:v56+s2+$0x0], $0xffff;
	v2 =	vadd.f32 v3, v2;
	v3 =	vmul.f32 v5, v55  }
0x57: {  	v1 =	vor.u32 $0x1F, v1;
	v5 =	vld.idx.msk [tilespmem:v56+s10+$0x0], $0xffff  }
0x58: {  	v61 =	vld.idx.msk [tilespmem:v58+s2+$0x0], $0xffff;
	v2 =	vadd.f32 v3, v2;
	v3 =	vmul.f32 v4, v57  }
0x59: {  	v4 =	vld.idx.msk [tilespmem:v58+s10+$0x0], $0xffff  }
0x5a: {  	v62 =	vld.idx.msk [tilespmem:v7+s2+$0x0], $0xffff;
	v2 =	vadd.f32 v3, v2;
	v3 =	vmul.f32 v6, v59  }
0x5b: {  	v6 =	vld.idx.msk [tilespmem:v7+s10+$0x0], $0xffff  }
0x5c: {  	v7 =	vld.idx.msk [tilespmem:v1+s2+$0x0], $0xffff;
	v2 =	vadd.f32 v3, v2;
	v3 =	vmul.f32 v5, v60  }
0x5d: {  	v1 =	vld.idx.msk [tilespmem:v1+s10+$0x0], $0xffff  }
0x5e: {  	v2 =	vadd.f32 v3, v2;
	v3 =	vmul.f32 v4, v61;
	_ =	sdelay $0x1  }
0x5f: {  	s31 =	simm.s32 $0x10;
	v2 =	vadd.f32 v3, v2;
	v3 =	vmul.f32 v6, v62  }
0x60: {  	v4 =	vmov s31  }
0x61: {  	v4 =	vshll.u32 v4, $0x5;
	v2 =	vadd.f32 v3, v2;
	v3 =	vmul.f32 v1, v7  }
0x62: {  	v1 =	vor.u32 v0, v4  }
0x63: {  	v2 =	vadd.f32 v3, v2;
	_ =	sdelay $0x1  }
0x64: {  	s13 =	simm.s32 $0x8210;
	v3 =	vor.u32 $0x1, v1;
	[tilespmem:s11+$0x0] =	vst v2  }
0x65: {  	v2 =	vld [tilespmem:s13+$0x0]  }
0x66: {  	v4 =	vor.u32 $0x2, v1;
	v5 =	vld.idx.msk [tilespmem:v1+s2+$0x0], $0xffff  }
0x67: {  	s14 =	simm.s32 $0x8010;
	v6 =	vld.idx.msk [tilespmem:v1+s10+$0x0], $0xffff  }
0x68: {  	v7 =	vor.u32 $0x3, v1;
	v63 =	vld [tilespmem:s14+$0x0]  }
0x69: {  	v16 =	vld.idx.msk [tilespmem:v3+s2+$0x0], $0xffff  }
0x6a: {  	v17 =	vor.u32 $0x4, v1;
	v3 =	vld.idx.msk [tilespmem:v3+s10+$0x0], $0xffff  }
0x6b: {  	v18 =	vld.idx.msk [tilespmem:v4+s2+$0x0], $0xffff  }
0x6c: {  	v19 =	vor.u32 $0x5, v1;
	v4 =	vld.idx.msk [tilespmem:v4+s10+$0x0], $0xffff  }
0x6d: {  	v20 =	vld.idx.msk [tilespmem:v7+s2+$0x0], $0xffff;
	v2 =	vadd.f32 v2, v63;
	v5 =	vmul.f32 v6, v5  }
0x6e: {  	v6 =	vld.idx.msk [tilespmem:v7+s10+$0x0], $0xffff;
	v7 =	vor.u32 $0x6, v1  }
0x6f: {  	v21 =	vld.idx.msk [tilespmem:v17+s2+$0x0], $0xffff;
	v2 =	vadd.f32 v5, v2;
	v3 =	vmul.f32 v3, v16  }
0x70: {  	v22 =	vor.u32 $0x7, v1;
	v5 =	vld.idx.msk [tilespmem:v17+s10+$0x0], $0xffff  }
0x71: {  	v23 =	vld.idx.msk [tilespmem:v19+s2+$0x0], $0xffff;
	v2 =	vadd.f32 v3, v2;
	v3 =	vmul.f32 v4, v18  }
0x72: {  	v24 =	vor.u32 $0x8, v1;
	v4 =	vld.idx.msk [tilespmem:v19+s10+$0x0], $0xffff  }
0x73: {  	v25 =	vld.idx.msk [tilespmem:v7+s2+$0x0], $0xffff;
	v2 =	vadd.f32 v3, v2;
	v3 =	vmul.f32 v6, v20  }
0x74: {  	v6 =	vld.idx.msk [tilespmem:v7+s10+$0x0], $0xffff;
	v7 =	vor.u32 $0x9, v1  }
0x75: {  	v26 =	vld.idx.msk [tilespmem:v22+s2+$0x0], $0xffff;
	v2 =	vadd.f32 v3, v2;
	v3 =	vmul.f32 v5, v21  }
0x76: {  	v27 =	vor.u32 $0xA, v1;
	v5 =	vld.idx.msk [tilespmem:v22+s10+$0x0], $0xffff  }
0x77: {  	v28 =	vld.idx.msk [tilespmem:v24+s2+$0x0], $0xffff;
	v2 =	vadd.f32 v3, v2;
	v3 =	vmul.f32 v4, v23  }
0x78: {  	v29 =	vor.u32 $0xB, v1;
	v4 =	vld.idx.msk [tilespmem:v24+s10+$0x0], $0xffff  }
0x79: {  	v30 =	vld.idx.msk [tilespmem:v7+s2+$0x0], $0xffff;
	v2 =	vadd.f32 v3, v2;
	v3 =	vmul.f32 v6, v25  }
0x7a: {  	v6 =	vld.idx.msk [tilespmem:v7+s10+$0x0], $0xffff;
	v7 =	vor.u32 $0xC, v1  }
0x7b: {  	v31 =	vld.idx.msk [tilespmem:v27+s2+$0x0], $0xffff;
	v2 =	vadd.f32 v3, v2;
	v3 =	vmul.f32 v5, v26  }
0x7c: {  	v32 =	vor.u32 $0xD, v1;
	v5 =	vld.idx.msk [tilespmem:v27+s10+$0x0], $0xffff  }
0x7d: {  	v33 =	vld.idx.msk [tilespmem:v29+s2+$0x0], $0xffff;
	v2 =	vadd.f32 v3, v2;
	v3 =	vmul.f32 v4, v28  }
0x7e: {  	v34 =	vor.u32 $0xE, v1;
	v4 =	vld.idx.msk [tilespmem:v29+s10+$0x0], $0xffff  }
0x7f: {  	v35 =	vld.idx.msk [tilespmem:v7+s2+$0x0], $0xffff;
	v2 =	vadd.f32 v3, v2;
	v3 =	vmul.f32 v6, v30  }
0x80: {  	v6 =	vld.idx.msk [tilespmem:v7+s10+$0x0], $0xffff;
	v7 =	vor.u32 $0xF, v1  }
0x81: {  	v36 =	vld.idx.msk [tilespmem:v32+s2+$0x0], $0xffff;
	v2 =	vadd.f32 v3, v2;
	v3 =	vmul.f32 v5, v31  }
0x82: {  	v37 =	vor.u32 $0x10, v1;
	v5 =	vld.idx.msk [tilespmem:v32+s10+$0x0], $0xffff  }
0x83: {  	v38 =	vld.idx.msk [tilespmem:v34+s2+$0x0], $0xffff;
	v2 =	vadd.f32 v3, v2;
	v3 =	vmul.f32 v4, v33  }
0x84: {  	v39 =	vor.u32 $0x11, v1;
	v4 =	vld.idx.msk [tilespmem:v34+s10+$0x0], $0xffff  }
0x85: {  	v40 =	vld.idx.msk [tilespmem:v7+s2+$0x0], $0xffff;
	v2 =	vadd.f32 v3, v2;
	v3 =	vmul.f32 v6, v35  }
0x86: {  	v6 =	vld.idx.msk [tilespmem:v7+s10+$0x0], $0xffff;
	v7 =	vor.u32 $0x12, v1  }
0x87: {  	v41 =	vld.idx.msk [tilespmem:v37+s2+$0x0], $0xffff;
	v2 =	vadd.f32 v3, v2;
	v3 =	vmul.f32 v5, v36  }
0x88: {  	v42 =	vor.u32 $0x13, v1;
	v5 =	vld.idx.msk [tilespmem:v37+s10+$0x0], $0xffff  }
0x89: {  	v43 =	vld.idx.msk [tilespmem:v39+s2+$0x0], $0xffff;
	v2 =	vadd.f32 v3, v2;
	v3 =	vmul.f32 v4, v38  }
0x8a: {  	v44 =	vor.u32 $0x14, v1;
	v4 =	vld.idx.msk [tilespmem:v39+s10+$0x0], $0xffff  }
0x8b: {  	v45 =	vld.idx.msk [tilespmem:v7+s2+$0x0], $0xffff;
	v2 =	vadd.f32 v3, v2;
	v3 =	vmul.f32 v6, v40  }
0x8c: {  	v6 =	vld.idx.msk [tilespmem:v7+s10+$0x0], $0xffff;
	v7 =	vor.u32 $0x15, v1  }
0x8d: {  	v46 =	vld.idx.msk [tilespmem:v42+s2+$0x0], $0xffff;
	v2 =	vadd.f32 v3, v2;
	v3 =	vmul.f32 v5, v41  }
0x8e: {  	v47 =	vor.u32 $0x16, v1;
	v5 =	vld.idx.msk [tilespmem:v42+s10+$0x0], $0xffff  }
0x8f: {  	v48 =	vld.idx.msk [tilespmem:v44+s2+$0x0], $0xffff;
	v2 =	vadd.f32 v3, v2;
	v3 =	vmul.f32 v4, v43  }
0x90: {  	v49 =	vor.u32 $0x17, v1;
	v4 =	vld.idx.msk [tilespmem:v44+s10+$0x0], $0xffff  }
0x91: {  	v50 =	vld.idx.msk [tilespmem:v7+s2+$0x0], $0xffff;
	v2 =	vadd.f32 v3, v2;
	v3 =	vmul.f32 v6, v45  }
0x92: {  	v6 =	vld.idx.msk [tilespmem:v7+s10+$0x0], $0xffff;
	v7 =	vor.u32 $0x18, v1  }
0x93: {  	v51 =	vld.idx.msk [tilespmem:v47+s2+$0x0], $0xffff;
	v2 =	vadd.f32 v3, v2;
	v3 =	vmul.f32 v5, v46  }
0x94: {  	v52 =	vor.u32 $0x19, v1;
	v5 =	vld.idx.msk [tilespmem:v47+s10+$0x0], $0xffff  }
0x95: {  	v53 =	vld.idx.msk [tilespmem:v49+s2+$0x0], $0xffff;
	v2 =	vadd.f32 v3, v2;
	v3 =	vmul.f32 v4, v48  }
0x96: {  	v54 =	vor.u32 $0x1A, v1;
	v4 =	vld.idx.msk [tilespmem:v49+s10+$0x0], $0xffff  }
0x97: {  	v55 =	vld.idx.msk [tilespmem:v7+s2+$0x0], $0xffff;
	v2 =	vadd.f32 v3, v2;
	v3 =	vmul.f32 v6, v50  }
0x98: {  	v6 =	vld.idx.msk [tilespmem:v7+s10+$0x0], $0xffff;
	v7 =	vor.u32 $0x1B, v1  }
0x99: {  	v56 =	vld.idx.msk [tilespmem:v52+s2+$0x0], $0xffff;
	v2 =	vadd.f32 v3, v2;
	v3 =	vmul.f32 v5, v51  }
0x9a: {  	v57 =	vor.u32 $0x1C, v1;
	v5 =	vld.idx.msk [tilespmem:v52+s10+$0x0], $0xffff  }
0x9b: {  	v58 =	vld.idx.msk [tilespmem:v54+s2+$0x0], $0xffff;
	v2 =	vadd.f32 v3, v2;
	v3 =	vmul.f32 v4, v53  }
0x9c: {  	v59 =	vor.u32 $0x1D, v1;
	v4 =	vld.idx.msk [tilespmem:v54+s10+$0x0], $0xffff  }
0x9d: {  	v60 =	vld.idx.msk [tilespmem:v7+s2+$0x0], $0xffff;
	v2 =	vadd.f32 v3, v2;
	v3 =	vmul.f32 v6, v55  }
0x9e: {  	v6 =	vld.idx.msk [tilespmem:v7+s10+$0x0], $0xffff;
	v7 =	vor.u32 $0x1E, v1  }
0x9f: {  	v61 =	vld.idx.msk [tilespmem:v57+s2+$0x0], $0xffff;
	v2 =	vadd.f32 v3, v2;
	v3 =	vmul.f32 v5, v56  }
0xa0: {  	v1 =	vor.u32 $0x1F, v1;
	v5 =	vld.idx.msk [tilespmem:v57+s10+$0x0], $0xffff  }
0xa1: {  	v62 =	vld.idx.msk [tilespmem:v59+s2+$0x0], $0xffff;
	v2 =	vadd.f32 v3, v2;
	v3 =	vmul.f32 v4, v58  }
0xa2: {  	v4 =	vld.idx.msk [tilespmem:v59+s10+$0x0], $0xffff  }
0xa3: {  	v63 =	vld.idx.msk [tilespmem:v7+s2+$0x0], $0xffff;
	v2 =	vadd.f32 v3, v2;
	v3 =	vmul.f32 v6, v60  }
0xa4: {  	v6 =	vld.idx.msk [tilespmem:v7+s10+$0x0], $0xffff  }
0xa5: {  	v7 =	vld.idx.msk [tilespmem:v1+s2+$0x0], $0xffff;
	v2 =	vadd.f32 v3, v2;
	v3 =	vmul.f32 v5, v61  }
0xa6: {  	v5 =	vld.idx.msk [tilespmem:v1+s10+$0x0], $0xffff  }
0xa7: {  	s15 =	simm.s32 $0x20;
	v1 =	vadd.f32 v3, v2;
	v2 =	vmul.f32 v4, v62  }
0xa8: {  	v3 =	vmov s15  }
0xa9: {  	v3 =	vshll.u32 v3, $0x5;
	v6 =	vmul.f32 v6, v63;
	v4 =	vadd.f32 v2, v1  }
0xaa: {  	v1 =	vor.u32 v0, v3  }
0xab: {  	v2 =	vor.u32 $0x1, v1;
	v3 =	vadd.f32 v6, v4;
	v4 =	vmul.f32 v5, v7  }
0xac: {  	s16 =	simm.s32 $0x30;
	s15 =	simm.s32 $0x8400  }
.LBB2_2:
0xad: {  	p0 =	sne.s32 s16, $0x1F0;
	v3 =	vadd.f32 v4, v3  }
0xae: {  	s15 =	sadd.s32 $0x10, s15  }
0xaf: {  	[tilespmem:s15+$0x0] =	vst v3  }
0xb0: {  	s13 =	sadd.s32 $0x10, s13;
	v3 =	vld.idx.msk [tilespmem:v2+s2+$0x0], $0xffff  }
0xb1: {  	v5 =	vor.u32 $0x2, v1;
	v4 =	vld [tilespmem:s13+$0x0]  }
0xb2: {  	v6 =	vld.idx.msk [tilespmem:v1+s2+$0x0], $0xffff  }
0xb3: {  	v8 =	vor.u32 $0x3, v1;
	s14 =	sadd.s32 $0x10, s14;
	v7 =	vld.idx.msk [tilespmem:v1+s10+$0x0], $0xffff  }
0xb4: {  	v9 =	vld [tilespmem:s14+$0x0]  }
0xb5: {  	v10 =	vor.u32 $0x4, v1;
	v2 =	vld.idx.msk [tilespmem:v2+s10+$0x0], $0xffff  }
0xb6: {  	v11 =	vld.idx.msk [tilespmem:v5+s2+$0x0], $0xffff  }
0xb7: {  	v12 =	vor.u32 $0x5, v1;
	v5 =	vld.idx.msk [tilespmem:v5+s10+$0x0], $0xffff  }
0xb8: {  	v13 =	vld.idx.msk [tilespmem:v8+s2+$0x0], $0xffff  }
0xb9: {  	v6 =	vmul.f32 v7, v6;
	v4 =	vadd.f32 v4, v9;
	v7 =	vld.idx.msk [tilespmem:v8+s10+$0x0], $0xffff;
	v8 =	vor.u32 $0x6, v1  }
0xba: {  	v9 =	vld.idx.msk [tilespmem:v10+s2+$0x0], $0xffff  }
0xbb: {  	v2 =	vmul.f32 v2, v3;
	v4 =	vadd.f32 v6, v4;
	v3 =	vld.idx.msk [tilespmem:v10+s10+$0x0], $0xffff;
	v6 =	vor.u32 $0x7, v1  }
0xbc: {  	v10 =	vld.idx.msk [tilespmem:v12+s2+$0x0], $0xffff  }
0xbd: {  	v2 =	vadd.f32 v2, v4;
	v4 =	vmul.f32 v5, v11;
	v5 =	vld.idx.msk [tilespmem:v12+s10+$0x0], $0xffff;
	v11 =	vor.u32 $0x8, v1  }
0xbe: {  	v12 =	vld.idx.msk [tilespmem:v8+s2+$0x0], $0xffff  }
0xbf: {  	v2 =	vadd.f32 v4, v2;
	v4 =	vmul.f32 v7, v13;
	v7 =	vld.idx.msk [tilespmem:v8+s10+$0x0], $0xffff;
	v8 =	vor.u32 $0x9, v1  }
0xc0: {  	v13 =	vld.idx.msk [tilespmem:v6+s2+$0x0], $0xffff  }
0xc1: {  	v3 =	vmul.f32 v3, v9;
	v2 =	vadd.f32 v4, v2;
	v4 =	vld.idx.msk [tilespmem:v6+s10+$0x0], $0xffff;
	v6 =	vor.u32 $0xA, v1  }
0xc2: {  	v9 =	vld.idx.msk [tilespmem:v11+s2+$0x0], $0xffff  }
0xc3: {  	v2 =	vadd.f32 v3, v2;
	v3 =	vmul.f32 v5, v10;
	v5 =	vld.idx.msk [tilespmem:v11+s10+$0x0], $0xffff;
	v10 =	vor.u32 $0xB, v1  }
0xc4: {  	v11 =	vld.idx.msk [tilespmem:v8+s2+$0x0], $0xffff  }
0xc5: {  	v2 =	vadd.f32 v3, v2;
	v3 =	vmul.f32 v7, v12;
	v7 =	vld.idx.msk [tilespmem:v8+s10+$0x0], $0xffff;
	v8 =	vor.u32 $0xC, v1  }
0xc6: {  	v12 =	vld.idx.msk [tilespmem:v6+s2+$0x0], $0xffff  }
0xc7: {  	v2 =	vadd.f32 v3, v2;
	v3 =	vmul.f32 v4, v13;
	v4 =	vld.idx.msk [tilespmem:v6+s10+$0x0], $0xffff;
	v6 =	vor.u32 $0xD, v1  }
0xc8: {  	v13 =	vld.idx.msk [tilespmem:v10+s2+$0x0], $0xffff  }
0xc9: {  	v2 =	vadd.f32 v3, v2;
	v3 =	vmul.f32 v5, v9;
	v5 =	vld.idx.msk [tilespmem:v10+s10+$0x0], $0xffff;
	v9 =	vor.u32 $0xE, v1  }
0xca: {  	v10 =	vld.idx.msk [tilespmem:v8+s2+$0x0], $0xffff  }
0xcb: {  	v2 =	vadd.f32 v3, v2;
	v3 =	vmul.f32 v7, v11;
	v7 =	vld.idx.msk [tilespmem:v8+s10+$0x0], $0xffff;
	v8 =	vor.u32 $0xF, v1  }
0xcc: {  	v11 =	vld.idx.msk [tilespmem:v6+s2+$0x0], $0xffff  }
0xcd: {  	v2 =	vadd.f32 v3, v2;
	v3 =	vmul.f32 v4, v12;
	v4 =	vld.idx.msk [tilespmem:v6+s10+$0x0], $0xffff;
	v6 =	vor.u32 $0x10, v1  }
0xce: {  	v12 =	vld.idx.msk [tilespmem:v9+s2+$0x0], $0xffff  }
0xcf: {  	v2 =	vadd.f32 v3, v2;
	v3 =	vmul.f32 v5, v13;
	v5 =	vld.idx.msk [tilespmem:v9+s10+$0x0], $0xffff;
	v9 =	vor.u32 $0x11, v1  }
0xd0: {  	v13 =	vld.idx.msk [tilespmem:v8+s2+$0x0], $0xffff  }
0xd1: {  	v2 =	vadd.f32 v3, v2;
	v3 =	vmul.f32 v7, v10;
	v7 =	vld.idx.msk [tilespmem:v8+s10+$0x0], $0xffff;
	v8 =	vor.u32 $0x12, v1  }
0xd2: {  	v10 =	vld.idx.msk [tilespmem:v6+s2+$0x0], $0xffff  }
0xd3: {  	v2 =	vadd.f32 v3, v2;
	v3 =	vmul.f32 v4, v11;
	v4 =	vld.idx.msk [tilespmem:v6+s10+$0x0], $0xffff;
	v6 =	vor.u32 $0x13, v1  }
0xd4: {  	v11 =	vld.idx.msk [tilespmem:v9+s2+$0x0], $0xffff  }
0xd5: {  	v2 =	vadd.f32 v3, v2;
	v3 =	vmul.f32 v5, v12;
	v5 =	vld.idx.msk [tilespmem:v9+s10+$0x0], $0xffff;
	v9 =	vor.u32 $0x14, v1  }
0xd6: {  	v12 =	vld.idx.msk [tilespmem:v8+s2+$0x0], $0xffff  }
0xd7: {  	v2 =	vadd.f32 v3, v2;
	v3 =	vmul.f32 v7, v13;
	v7 =	vld.idx.msk [tilespmem:v8+s10+$0x0], $0xffff;
	v8 =	vor.u32 $0x15, v1  }
0xd8: {  	v13 =	vld.idx.msk [tilespmem:v6+s2+$0x0], $0xffff  }
0xd9: {  	v2 =	vadd.f32 v3, v2;
	v3 =	vmul.f32 v4, v10;
	v4 =	vld.idx.msk [tilespmem:v6+s10+$0x0], $0xffff;
	v6 =	vor.u32 $0x16, v1  }
0xda: {  	v10 =	vld.idx.msk [tilespmem:v9+s2+$0x0], $0xffff  }
0xdb: {  	v2 =	vadd.f32 v3, v2;
	v3 =	vmul.f32 v5, v11;
	v5 =	vld.idx.msk [tilespmem:v9+s10+$0x0], $0xffff;
	v9 =	vor.u32 $0x17, v1  }
0xdc: {  	v11 =	vld.idx.msk [tilespmem:v8+s2+$0x0], $0xffff  }
0xdd: {  	v2 =	vadd.f32 v3, v2;
	v3 =	vmul.f32 v7, v12;
	v7 =	vld.idx.msk [tilespmem:v8+s10+$0x0], $0xffff;
	v8 =	vor.u32 $0x18, v1  }
0xde: {  	v12 =	vld.idx.msk [tilespmem:v6+s2+$0x0], $0xffff  }
0xdf: {  	v2 =	vadd.f32 v3, v2;
	v3 =	vmul.f32 v4, v13;
	v4 =	vld.idx.msk [tilespmem:v6+s10+$0x0], $0xffff;
	v6 =	vor.u32 $0x19, v1  }
0xe0: {  	v13 =	vld.idx.msk [tilespmem:v9+s2+$0x0], $0xffff  }
0xe1: {  	v2 =	vadd.f32 v3, v2;
	v3 =	vmul.f32 v5, v10;
	v5 =	vld.idx.msk [tilespmem:v9+s10+$0x0], $0xffff;
	v9 =	vor.u32 $0x1A, v1  }
0xe2: {  	v10 =	vld.idx.msk [tilespmem:v8+s2+$0x0], $0xffff  }
0xe3: {  	v2 =	vadd.f32 v3, v2;
	v3 =	vmul.f32 v7, v11;
	v7 =	vld.idx.msk [tilespmem:v8+s10+$0x0], $0xffff;
	v8 =	vor.u32 $0x1B, v1  }
0xe4: {  	v11 =	vld.idx.msk [tilespmem:v6+s2+$0x0], $0xffff  }
0xe5: {  	v2 =	vadd.f32 v3, v2;
	v3 =	vmul.f32 v4, v12;
	v4 =	vld.idx.msk [tilespmem:v6+s10+$0x0], $0xffff;
	v6 =	vor.u32 $0x1C, v1  }
0xe6: {  	v12 =	vld.idx.msk [tilespmem:v9+s2+$0x0], $0xffff  }
0xe7: {  	v2 =	vadd.f32 v3, v2;
	v3 =	vmul.f32 v5, v13;
	v5 =	vld.idx.msk [tilespmem:v9+s10+$0x0], $0xffff;
	v9 =	vor.u32 $0x1D, v1  }
0xe8: {  	v13 =	vld.idx.msk [tilespmem:v8+s2+$0x0], $0xffff  }
0xe9: {  	v2 =	vadd.f32 v3, v2;
	v3 =	vmul.f32 v7, v10;
	v7 =	vld.idx.msk [tilespmem:v8+s10+$0x0], $0xffff;
	v8 =	vor.u32 $0x1E, v1  }
0xea: {  	v10 =	vld.idx.msk [tilespmem:v6+s2+$0x0], $0xffff  }
0xeb: {  	v1 =	vor.u32 $0x1F, v1;
	v2 =	vadd.f32 v3, v2;
	v3 =	vmul.f32 v4, v11;
	v4 =	vld.idx.msk [tilespmem:v6+s10+$0x0], $0xffff  }
0xec: {  	v6 =	vld.idx.msk [tilespmem:v9+s2+$0x0], $0xffff  }
0xed: {  	v2 =	vadd.f32 v3, v2;
	v3 =	vmul.f32 v5, v12;
	v5 =	vld.idx.msk [tilespmem:v9+s10+$0x0], $0xffff  }
0xee: {  	v9 =	vld.idx.msk [tilespmem:v8+s2+$0x0], $0xffff  }
0xef: {  	v2 =	vadd.f32 v3, v2;
	v3 =	vmul.f32 v7, v13;
	v7 =	vld.idx.msk [tilespmem:v8+s10+$0x0], $0xffff  }
0xf0: {  	v8 =	vld.idx.msk [tilespmem:v1+s2+$0x0], $0xffff  }
0xf1: {  	v2 =	vadd.f32 v3, v2;
	v3 =	vmul.f32 v4, v10;
	v4 =	vld.idx.msk [tilespmem:v1+s10+$0x0], $0xffff;
	_ =	sdelay $0x1  }
0xf2: {  	v1 =	vadd.f32 v3, v2;
	v2 =	vmul.f32 v5, v6  }
.Ltmp0:
0xf3: {  	v3 =	vmov s16;
	(pc) =	sbr.rel @p0 .LBB2_2-.Ltmp0, $4  }
0xf4: {  	v3 =	vshll.u32 v3, $0x5;
	v6 =	vmul.f32 v7, v9;
	v5 =	vadd.f32 v2, v1  }
0xf5: {  	v1 =	vor.u32 v0, v3  }
0xf6: {  	v2 =	vor.u32 $0x1, v1;
	v4 =	vmul.f32 v4, v8;
	v3 =	vadd.f32 v6, v5  }
0xf7: {  	s16 =	sadd.s32 $0x10, s16  }
0xf8: {  	v3 =	vadd.f32 v4, v3  }
0xf9: {  	s15 =	sadd.s32 $0x10, s15  }
0xfa: {  	s13 =	sadd.s32 $0x10, s13;
	[tilespmem:s15+$0x0] =	vst v3  }
0xfb: {  	v3 =	vld [tilespmem:s13+$0x0]  }
0xfc: {  	v30 =	vor.u32 $0x2, v1;
	v5 =	vld.idx.msk [tilespmem:v1+s2+$0x0], $0xffff  }
0xfd: {  	s30 =	sadd.s32 $0x10, s14;
	v6 =	vld.idx.msk [tilespmem:v1+s10+$0x0], $0xffff  }
0xfe: {  	v7 =	vor.u32 $0x3, v1;
	v8 =	vld [tilespmem:s30+$0x0]  }
0xff: {  	v9 =	vld.idx.msk [tilespmem:v2+s2+$0x0], $0xffff  }
0x100: {  	v10 =	vor.u32 $0x4, v1;
	v2 =	vld.idx.msk [tilespmem:v2+s10+$0x0], $0xffff  }
0x101: {  	v11 =	vld.idx.msk [tilespmem:v30+s2+$0x0], $0xffff  }
0x102: {  	v12 =	vor.u32 $0x5, v1;
	v4 =	vld.idx.msk [tilespmem:v30+s10+$0x0], $0xffff  }
0x103: {  	v13 =	vld.idx.msk [tilespmem:v7+s2+$0x0], $0xffff;
	v3 =	vadd.f32 v3, v8;
	v5 =	vmul.f32 v6, v5  }
0x104: {  	v32 =	vor.u32 $0x6, v1;
	v31 =	vld.idx.msk [tilespmem:v7+s10+$0x0], $0xffff  }
0x105: {  	v33 =	vld.idx.msk [tilespmem:v10+s2+$0x0], $0xffff;
	v2 =	vmul.f32 v2, v9;
	v3 =	vadd.f32 v5, v3  }
0x106: {  	v35 =	vor.u32 $0x7, v1;
	v34 =	vld.idx.msk [tilespmem:v10+s10+$0x0], $0xffff  }
0x107: {  	v36 =	vld.idx.msk [tilespmem:v12+s2+$0x0], $0xffff;
	v2 =	vadd.f32 v2, v3;
	v3 =	vmul.f32 v4, v11  }
0x108: {  	v38 =	vor.u32 $0x8, v1;
	v37 =	vld.idx.msk [tilespmem:v12+s10+$0x0], $0xffff  }
0x109: {  	v39 =	vld.idx.msk [tilespmem:v32+s2+$0x0], $0xffff;
	v2 =	vadd.f32 v3, v2;
	v3 =	vmul.f32 v31, v13  }
0x10a: {  	v41 =	vor.u32 $0x9, v1;
	v40 =	vld.idx.msk [tilespmem:v32+s10+$0x0], $0xffff  }
0x10b: {  	v42 =	vld.idx.msk [tilespmem:v35+s2+$0x0], $0xffff;
	v2 =	vadd.f32 v3, v2;
	v3 =	vmul.f32 v34, v33  }
0x10c: {  	v44 =	vor.u32 $0xA, v1;
	v43 =	vld.idx.msk [tilespmem:v35+s10+$0x0], $0xffff  }
0x10d: {  	v45 =	vld.idx.msk [tilespmem:v38+s2+$0x0], $0xffff;
	v2 =	vadd.f32 v3, v2;
	v3 =	vmul.f32 v37, v36  }
0x10e: {  	v47 =	vor.u32 $0xB, v1;
	v46 =	vld.idx.msk [tilespmem:v38+s10+$0x0], $0xffff  }
0x10f: {  	v48 =	vld.idx.msk [tilespmem:v41+s2+$0x0], $0xffff;
	v2 =	vadd.f32 v3, v2;
	v3 =	vmul.f32 v40, v39  }
0x110: {  	v50 =	vor.u32 $0xC, v1;
	v49 =	vld.idx.msk [tilespmem:v41+s10+$0x0], $0xffff  }
0x111: {  	v51 =	vld.idx.msk [tilespmem:v44+s2+$0x0], $0xffff;
	v2 =	vadd.f32 v3, v2;
	v3 =	vmul.f32 v43, v42  }
0x112: {  	v53 =	vor.u32 $0xD, v1;
	v52 =	vld.idx.msk [tilespmem:v44+s10+$0x0], $0xffff  }
0x113: {  	v54 =	vld.idx.msk [tilespmem:v47+s2+$0x0], $0xffff;
	v2 =	vadd.f32 v3, v2;
	v3 =	vmul.f32 v46, v45  }
0x114: {  	v56 =	vor.u32 $0xE, v1;
	v55 =	vld.idx.msk [tilespmem:v47+s10+$0x0], $0xffff  }
0x115: {  	v57 =	vld.idx.msk [tilespmem:v50+s2+$0x0], $0xffff;
	v2 =	vadd.f32 v3, v2;
	v3 =	vmul.f32 v49, v48  }
0x116: {  	v59 =	vor.u32 $0xF, v1;
	v58 =	vld.idx.msk [tilespmem:v50+s10+$0x0], $0xffff  }
0x117: {  	v60 =	vld.idx.msk [tilespmem:v53+s2+$0x0], $0xffff;
	v2 =	vadd.f32 v3, v2;
	v3 =	vmul.f32 v52, v51  }
0x118: {  	v62 =	vor.u32 $0x10, v1;
	v61 =	vld.idx.msk [tilespmem:v53+s10+$0x0], $0xffff  }
0x119: {  	v63 =	vld.idx.msk [tilespmem:v56+s2+$0x0], $0xffff;
	v2 =	vadd.f32 v3, v2;
	v3 =	vmul.f32 v55, v54  }
0x11a: {  	v17 =	vor.u32 $0x11, v1;
	v16 =	vld.idx.msk [tilespmem:v56+s10+$0x0], $0xffff  }
0x11b: {  	v18 =	vld.idx.msk [tilespmem:v59+s2+$0x0], $0xffff;
	v2 =	vadd.f32 v3, v2;
	v3 =	vmul.f32 v58, v57  }
0x11c: {  	v20 =	vor.u32 $0x12, v1;
	v19 =	vld.idx.msk [tilespmem:v59+s10+$0x0], $0xffff  }
0x11d: {  	v21 =	vld.idx.msk [tilespmem:v62+s2+$0x0], $0xffff;
	v2 =	vadd.f32 v3, v2;
	v3 =	vmul.f32 v61, v60  }
0x11e: {  	v23 =	vor.u32 $0x13, v1;
	v22 =	vld.idx.msk [tilespmem:v62+s10+$0x0], $0xffff  }
0x11f: {  	v24 =	vld.idx.msk [tilespmem:v17+s2+$0x0], $0xffff;
	v2 =	vadd.f32 v3, v2;
	v3 =	vmul.f32 v16, v63  }
0x120: {  	v26 =	vor.u32 $0x14, v1;
	v25 =	vld.idx.msk [tilespmem:v17+s10+$0x0], $0xffff  }
0x121: {  	v27 =	vld.idx.msk [tilespmem:v20+s2+$0x0], $0xffff;
	v2 =	vadd.f32 v3, v2;
	v3 =	vmul.f32 v19, v18  }
0x122: {  	v29 =	vor.u32 $0x15, v1;
	v28 =	vld.idx.msk [tilespmem:v20+s10+$0x0], $0xffff  }
0x123: {  	v30 =	vld.idx.msk [tilespmem:v23+s2+$0x0], $0xffff;
	v2 =	vadd.f32 v3, v2;
	v3 =	vmul.f32 v22, v21  }
0x124: {  	v32 =	vor.u32 $0x16, v1;
	v31 =	vld.idx.msk [tilespmem:v23+s10+$0x0], $0xffff  }
0x125: {  	v33 =	vld.idx.msk [tilespmem:v26+s2+$0x0], $0xffff;
	v2 =	vadd.f32 v3, v2;
	v3 =	vmul.f32 v25, v24  }
0x126: {  	v35 =	vor.u32 $0x17, v1;
	v34 =	vld.idx.msk [tilespmem:v26+s10+$0x0], $0xffff  }
0x127: {  	v36 =	vld.idx.msk [tilespmem:v29+s2+$0x0], $0xffff;
	v2 =	vadd.f32 v3, v2;
	v3 =	vmul.f32 v28, v27  }
0x128: {  	v38 =	vor.u32 $0x18, v1;
	v37 =	vld.idx.msk [tilespmem:v29+s10+$0x0], $0xffff  }
0x129: {  	v39 =	vld.idx.msk [tilespmem:v32+s2+$0x0], $0xffff;
	v2 =	vadd.f32 v3, v2;
	v3 =	vmul.f32 v31, v30  }
0x12a: {  	v41 =	vor.u32 $0x19, v1;
	v40 =	vld.idx.msk [tilespmem:v32+s10+$0x0], $0xffff  }
0x12b: {  	v42 =	vld.idx.msk [tilespmem:v35+s2+$0x0], $0xffff;
	v2 =	vadd.f32 v3, v2;
	v3 =	vmul.f32 v34, v33  }
0x12c: {  	v44 =	vor.u32 $0x1A, v1;
	v43 =	vld.idx.msk [tilespmem:v35+s10+$0x0], $0xffff  }
0x12d: {  	v45 =	vld.idx.msk [tilespmem:v38+s2+$0x0], $0xffff;
	v2 =	vadd.f32 v3, v2;
	v3 =	vmul.f32 v37, v36  }
0x12e: {  	v47 =	vor.u32 $0x1B, v1;
	v46 =	vld.idx.msk [tilespmem:v38+s10+$0x0], $0xffff  }
0x12f: {  	v48 =	vld.idx.msk [tilespmem:v41+s2+$0x0], $0xffff;
	v2 =	vadd.f32 v3, v2;
	v3 =	vmul.f32 v40, v39  }
0x130: {  	v50 =	vor.u32 $0x1C, v1;
	v49 =	vld.idx.msk [tilespmem:v41+s10+$0x0], $0xffff  }
0x131: {  	v51 =	vld.idx.msk [tilespmem:v44+s2+$0x0], $0xffff;
	v2 =	vadd.f32 v3, v2;
	v3 =	vmul.f32 v43, v42  }
0x132: {  	v53 =	vor.u32 $0x1D, v1;
	v52 =	vld.idx.msk [tilespmem:v44+s10+$0x0], $0xffff  }
0x133: {  	v54 =	vld.idx.msk [tilespmem:v47+s2+$0x0], $0xffff;
	v2 =	vadd.f32 v3, v2;
	v3 =	vmul.f32 v46, v45  }
0x134: {  	v56 =	vor.u32 $0x1E, v1;
	v55 =	vld.idx.msk [tilespmem:v47+s10+$0x0], $0xffff  }
0x135: {  	v57 =	vld.idx.msk [tilespmem:v50+s2+$0x0], $0xffff;
	v2 =	vadd.f32 v3, v2;
	v3 =	vmul.f32 v49, v48  }
0x136: {  	v1 =	vor.u32 $0x1F, v1;
	v58 =	vld.idx.msk [tilespmem:v50+s10+$0x0], $0xffff  }
0x137: {  	v59 =	vld.idx.msk [tilespmem:v53+s2+$0x0], $0xffff;
	v2 =	vadd.f32 v3, v2;
	v3 =	vmul.f32 v52, v51  }
0x138: {  	v60 =	vld.idx.msk [tilespmem:v53+s10+$0x0], $0xffff  }
0x139: {  	v62 =	vld.idx.msk [tilespmem:v56+s10+$0x0], $0xffff;
	v2 =	vadd.f32 v3, v2;
	v3 =	vmul.f32 v55, v54  }
0x13a: {  	v61 =	vld.idx.msk [tilespmem:v56+s2+$0x0], $0xffff  }
0x13b: {  	v63 =	vld.idx.msk [tilespmem:v1+s2+$0x0], $0xffff;
	v2 =	vadd.f32 v3, v2;
	v3 =	vmul.f32 v58, v57  }
0x13c: {  	v1 =	vld.idx.msk [tilespmem:v1+s10+$0x0], $0xffff  }
0x13d: {  	v2 =	vadd.f32 v3, v2;
	v3 =	vmul.f32 v60, v59;
	_ =	sdelay $0x1  }
0x13e: {  	v2 =	vadd.f32 v3, v2;
	v3 =	vmul.f32 v62, v61;
	_ =	sdelay $0x1  }
0x13f: {  	v1 =	vmul.f32 v1, v63;
	v2 =	vadd.f32 v3, v2;
	_ =	sdelay $0x1  }
0x140: {  	s12 =	sadd.s32 $0x1, s12;
	v1 =	vadd.f32 v1, v2  }
0x141: {  	s31 =	sadd.s32 $0x10, s15;
	p0 =	sne.s32 s12, s8  }
.Ltmp1:
0x142: {  	[tilespmem:s31+$0x0] =	vst v1;
	(pc) =	sbr.rel @p0 .LBB2_1-.Ltmp1, $4  }
0x143: {  	[hbm4b:s7+s2] =	stream.linear.scatter [tilespmem:s11], [sflag:$0x1], $0x200, $0x38;
	[tilespmem:$0x8600] =	vst v63  }
0x144: {  	_ =	swait.ge [sflag:s9], $0x200  }
0x145: {  	[sflag:s9] =	ssyncset.done $0x0  }
0x146: {  	[sflag:s9] =	ssyncadd.s32 $0xFFFFFE00  }
0x147: {  	_ =	sfence.sel $0x180000  }
0x148: {  	[bflag:$0x0] =	sbarrier.arrive $0xFFFF  }
0x149: {  	p0 =	sne.s32 s1, $0x0;
	_ =	strace $0x9000004D  }
0x14a: {  	s0 =	sadd.s32 @!p0 $0x100000, s0;
	[bflag:$0x2] =	sbarrier.arrive $0xFFFF  }
0x14b: {  	[sflag:s0] =	ssyncadd.tile.s32 @!p0 $0x1;
	_ =	shalt  }
.Lfunc_end2:
_tile_overlayer_lowered:
.L_overlay_start_2:
0x14c: {  	(tag) =	ssettag $0x2  }
0x14d: {  	s0 =	rddreg [dreg:$0x0];
	s2 =	stileid.u32  }
0x14e: {  	s1 =	rddreg [dreg:$0x1];
	p0 =	sne.s32 s2, $0x0  }
0x14f: {  	s3 =	rddreg [dreg:$0x2];
	[bflag:$0x3] =	sbarrier.arrive $0xFFFF;
	s2 =	simm.s32 @!p0 $0x1C01  }
0x150: {  	[timem:s3], [sflag:s2] =	dma.local @!p0 [hbm:s0], s1  }
0x151: {  	s0 =	simm.s32 @!p0 $0x1  }
0x152: {  	_ =	swait.ge @!p0 [sflag:s0], s1  }
0x153: {  	s1 =	ssub.s32 @!p0 $0x0, s1;
	[sflag:s0] =	ssyncset.done @!p0 $0x0  }
0x154: {  	[sflag:s0] =	ssyncadd.s32 @!p0 s1  }
0x155: {  	[bflag:$0x3] =	sbarrier.arrive $0xFFFF  }
0x156: {  	_ =	shalt  }

// kernel: kernel.5.cloned.1.call-start
scs
__scs_entry_jumppad:
0x0: {  	(pc) =	sbr.rel $0x88, $3  }
0x1: {  	(tag) =	ssettag $0x0;
	lr =	simm.s32 $0x1  }
0x2: {  	[smem:$0x3F9B] =	sst lr;
	_ =	strace $0xD0000000  }
0x3: {  	_ = 	snop  }
0x4: {  	_ = 	snop  }
0x5: {  	_ = 	snop  }
0x6: {  	_ = 	snop  }
0x7: {  	_ = 	snop  }
__scs_overlays_trampoline_lowered:
0x8: {  	[smem:$0x3FAA] =	sst s0  }
0x9: {  	[smem:$0x3FAB] =	sst s1  }
0xa: {  	[smem:$0x3FAC] =	sst s2  }
0xb: {  	[smem:$0x3FAD] =	sst s3  }
0xc: {  	[smem:$0x3FAE] =	sst s4  }
0xd: {  	[smem:$0x3FAF] =	sst s5  }
0xe: {  	[smem:$0x3FB0] =	sst s6  }
0xf: {  	[smem:$0x3FB1] =	sst s7  }
0x10: {  	[smem:$0x3FB2] =	sst s8  }
0x11: {  	[smem:$0x3FB3] =	sst s9;
	s0 =	simm.s32 @!p0 $0x0  }
0x12: {  	s1 =	sld [smem:$0x3F99];
	s0 =	simm.s32 @p0 $0x1  }
0x13: {  	[smem:$0x3FB4] =	sst s0;
	s0 =	simm.s32 @!p1 $0x0  }
0x14: {  	s2 =	sld [smem:$0x3F98];
	s0 =	simm.s32 @p1 $0x1  }
0x15: {  	[smem:$0x3FB5] =	sst s0;
	s0 =	simm.s32 @!p2 $0x0  }
0x16: {  	s3 =	sld [smem:$0x3FDB];
	s0 =	simm.s32 @p2 $0x1  }
0x17: {  	s4 =	simm.s32 $0x1BF5;
	[smem:$0x3FB7] =	sst s0  }
0x18: {  	s0 =	sld [smem:$0x3F9A];
	_ =	swait.ge [sflag:s4], $0x0  }
0x19: {  	s7 =	sld [smem:$0x3F9B]  }
0x1a: {  	s8 =	sadd.s32 $0xFFFFE003, lr  }
0x1b: {  	s9 =	sadd.s32 $0xFFFFFEF7, lr;
	s5 =	simm.s32 $0xFFFFFFFF;
	p2 =	slt.u32 s8, $0xFFFFF086  }
0x1c: {  	p1 =	slt.u32 s9, $0xF7A;
	s5 =	simm.s32 @!p2 $0x0  }
0x1d: {  	s5 =	simm.s32 @p1 $0x1;
	p0 =	seq.s32 s7, s2  }
0x1e: {  	s7 =	smul.u32 @!p0 $0xF7A, s2;
	p2 =	seq.s32 @!p0 s5, $0x0  }
0x1f: {  	s9 =	smul.u32 $0xF7A, s1;
	s8 =	simm.s32 @!p0 $0x1BF5;
	p2 =	por !p2, p0  }
0x20: {  	[sflag:s8] =	ssyncset.s32 @!p0 $0xFFFFF086;
	s6 =	sadd.s32 @!p0 s3, s7;
	s7 =	simm.s32 @!p0 $0x108  }
0x21: {  	s3 =	sadd.s32 s3, s9;
	s6 =	sadd.s32 @!p0 $0x88, s6;
	s7 =	simm.s32 @p2 $0x1082  }
0x22: {  	[simem:s7], [sflag:s8] =	dma.local @!p0 [hbm:s6], $0xF7A  }
0x23: {  	s9 =	sor.u32 $0xD0000000, s2;
	s6 =	simm.s32 $0x108;
	_ =	swait.ge @!p0 [sflag:s8], $0x0  }
0x24: {  	s3 =	sadd.s32 $0x88, s3;
	s6 =	simm.s32 @!p1 $0x1082;
	[sflag:s4] =	ssyncset.s32 $0xFFFFF086  }
0x25: {  	[simem:s6], [sflag:s4] =	dma.local [hbm:s3], $0xF7A  }
0x26: {  	[smem:$0x3F9B] =	sst s1;
	(tag) =	ssettag s2;
	_ =	strace s9  }
0x27: {  	s1 =	sld [smem:$0x3FAB]  }
0x28: {  	s2 =	sld [smem:$0x3FAC]  }
0x29: {  	s4 =	sld [smem:$0x3FAE]  }
0x2a: {  	p0 =	seq.s32 s5, $0x0;
	s5 =	sld [smem:$0x3FAF]  }
0x2b: {  	s6 =	sld [smem:$0x3FB0]  }
0x2c: {  	s7 =	sld [smem:$0x3FB1]  }
0x2d: {  	s3 =	simm.s32 $0x108;
	s8 =	sld [smem:$0x3FB2]  }
0x2e: {  	s3 =	simm.s32 @!p0 $0x1082;
	s9 =	sld [smem:$0x3FB3]  }
0x2f: {  	lr =	sadd.s32 s0, s3;
	s0 =	sld [smem:$0x3FAA]  }
0x30: {  	s3 =	sld [smem:$0x3FAD]  }
0x31: {  	[smem:$0x3FB6] =	sst s10  }
0x32: {  	s10 =	sld [smem:$0x3FB4];
	_ =	sdelay $0x3  }
0x33: {  	p0 =	seq.s32 s10, $0x1;
	s10 =	sld [smem:$0x3FB6];
	_ =	sdelay $0x3  }
0x34: {  	[smem:$0x3FB6] =	sst s10  }
0x35: {  	s10 =	sld [smem:$0x3FB5];
	_ =	sdelay $0x3  }
0x36: {  	p1 =	seq.s32 s10, $0x1;
	s10 =	sld [smem:$0x3FB6];
	_ =	sdelay $0x3  }
0x37: {  	[smem:$0x3FB6] =	sst s10  }
0x38: {  	s10 =	sld [smem:$0x3FB7]  }
0x39: {  	_ = 	snop;
	(pc) =	sbr.ind lr, $3  }
0x3a: {  	_ = 	snop  }
0x3b: {  	_ = 	snop  }
0x3c: {  	p2 =	seq.s32 s10, $0x1;
	s10 =	sld [smem:$0x3FB6]  }
0x3d: {  	_ =	shalt  }
0x3e: {  	_ =	shalt  }
0x3f: {  	_ =	shalt  }
0x40: {  	_ =	shalt  }
0x41: {  	_ =	shalt  }
0x42: {  	_ =	shalt  }
0x43: {  	_ =	shalt  }
0x44: {  	_ =	shalt  }
0x45: {  	_ =	shalt  }
0x46: {  	_ =	shalt  }
0x47: {  	_ =	shalt  }
0x48: {  	_ =	shalt  }
0x49: {  	_ =	shalt  }
0x4a: {  	_ =	shalt  }
0x4b: {  	_ =	shalt  }
0x4c: {  	_ =	shalt  }
0x4d: {  	_ =	shalt  }
0x4e: {  	_ =	shalt  }
0x4f: {  	_ =	shalt  }
0x50: {  	_ =	shalt  }
0x51: {  	_ =	shalt  }
0x52: {  	_ =	shalt  }
0x53: {  	_ =	shalt  }
0x54: {  	_ =	shalt  }
0x55: {  	_ =	shalt  }
0x56: {  	_ =	shalt  }
0x57: {  	_ =	shalt  }
0x58: {  	_ =	shalt  }
0x59: {  	_ =	shalt  }
0x5a: {  	_ =	shalt  }
0x5b: {  	_ =	shalt  }
0x5c: {  	_ =	shalt  }
0x5d: {  	_ =	shalt  }
0x5e: {  	_ =	shalt  }
0x5f: {  	_ =	shalt  }
0x60: {  	_ =	shalt  }
0x61: {  	_ =	shalt  }
0x62: {  	_ =	shalt  }
0x63: {  	_ =	shalt  }
0x64: {  	_ =	shalt  }
0x65: {  	_ =	shalt  }
0x66: {  	_ =	shalt  }
0x67: {  	_ =	shalt  }
0x68: {  	_ =	shalt  }
0x69: {  	_ =	shalt  }
0x6a: {  	_ =	shalt  }
0x6b: {  	_ =	shalt  }
0x6c: {  	_ =	shalt  }
0x6d: {  	_ =	shalt  }
0x6e: {  	_ =	shalt  }
0x6f: {  	_ =	shalt  }
0x70: {  	_ =	shalt  }
0x71: {  	_ =	shalt  }
0x72: {  	_ =	shalt  }
0x73: {  	_ =	shalt  }
0x74: {  	_ =	shalt  }
0x75: {  	_ =	shalt  }
0x76: {  	_ =	shalt  }
0x77: {  	_ =	shalt  }
0x78: {  	_ =	shalt  }
0x79: {  	_ =	shalt  }
0x7a: {  	_ =	shalt  }
0x7b: {  	_ =	shalt  }
0x7c: {  	_ =	shalt  }
0x7d: {  	_ =	shalt  }
0x7e: {  	_ =	shalt  }
0x7f: {  	_ =	shalt  }
0x80: {  	_ =	shalt  }
0x81: {  	_ =	shalt  }
0x82: {  	_ =	shalt  }
0x83: {  	_ =	shalt  }
0x84: {  	_ =	shalt  }
0x85: {  	_ =	shalt  }
0x86: {  	_ =	shalt  }
0x87: {  	_ =	shalt  }
.Lfunc_end0:
.L_simem_size_0:
called_computation_lowered:
.L_overlay_start_0:
0x88: {  	s2 =	sld [smem:$0x3FD9]  }
0x89: {  	s3 =	sld [smem:$0x3FFE];
	_ =	sdelay $0x1  }
0x8a: {  	s1 =	srdreg.scid  }
0x8b: {  	s0 =	sand.u32 $0x1, s1  }
0x8c: {  	s17 =	sshll.u32 s0, $0xA;
	s2 =	sadd.s32 s3, s2  }
0x8d: {  	s2 =	sadd.s32 s2, s17  }
0x8e: {  	[smem:$0x3FC2] =	sst s2  }
0x8f: {  	_ = 	snop  }
0x90: {  	s18 =	sld [smem:$0x3FC9];
	(tm) =	ssettm $0x1  }
0x91: {  	s19 =	sld [smem:$0x3FFB];
	_ =	sdelay $0x3  }
0x92: {  	_ =	strace s19  }
0x93: {  	s2 =	sld [smem:$0x3FFC];
	_ =	sdelay $0x3  }
0x94: {  	_ =	strace s2  }
0x95: {  	s2 =	sld [smem:$0x3FFD];
	_ =	sdelay $0x3  }
0x96: {  	_ =	strace s2  }
0x97: {  	_ =	strace $0x8FFFFFFF  }
0x98: {  	s20 =	sld [smem:$0x3FDB];
	_ =	sdelay $0x1  }
0x99: {  	s4 =	simm.s32 $_scs_section_size  }
0x9a: {  	s5 =	simm.s32 $_size__tile_overlayer_lowered;
	s6 =	simm.s32 $_tile_overlayer_lowered  }
0x9b: {  	s7 =	simm.s32 $0x1BFF;
	s21 =	sshll.u32 s6, $0x1;
	s4 =	sadd.s32 s4, s20  }
0x9c: {  	s22 =	simm.s32 $0x0;
	s5 =	sshll.u32 s5, $0x1;
	s6 =	sadd.s32 s21, s4  }
0x9d: {  	[timem:s22], [sflag:s7] =	dma.local [hbm:s6], s5  }
0x9e: {  	_ =	swait.ge [sflag:s7], s5  }
0x9f: {  	s5 =	ssub.s32 $0x0, s5;
	[sflag:s7] =	ssyncset.done $0x0  }
0xa0: {  	[sflag:s7] =	ssyncadd.s32 s5;
	_ =	sdelay $0x1  }
0xa1: {  	s23 =	simm.s32 $0x1B8B  }
0xa2: {  	_ =	swait.ge [sflag:s23], $0x1  }
0xa3: {  	[sflag:s23] =	ssyncset.done $0x0  }
0xa4: {  	[sflag:s23] =	ssyncadd.s32 $0xFFFFFFFF  }
0xa5: {  	s5 =	sld [smem:$0x0]  }
0xa6: {  	s6 =	sand.u32 $0xFFFFFFFE, s1  }
0xa7: {  	p0 =	sne.s32 s1, s6  }
0xa8: {  	s6 =	sshll.u32 @p0 s6, $0xE  }
0xa9: {  	s6 =	sadd.s32 @p0 $0x11B8D, s6;
	s7 =	sshll.u32 @p0 s5, $0x11  }
0xaa: {  	s6 =	sor.u32 @p0 s7, s6  }
0xab: {  	[sflag:s6] =	ssyncadd.remote.s32 @p0 $0x1;
	_ =	sdelay $0x1  }
0xac: {  	s6 =	simm.s32 @p0 $0x1B8D  }
0xad: {  	_ =	swait.eq @p0 [sflag:s6], $0x1  }
0xae: {  	[sflag:s6] =	ssyncadd.s32 @p0 $0xFFFFFFFF  }
0xaf: {  	s7 =	sshll.u32 @!p0 s1, $0xE  }
0xb0: {  	s7 =	sor.u32 @!p0 $0x4000, s7;
	s6 =	simm.s32 @!p0 $0x1B8D  }
0xb1: {  	s5 =	sshll.u32 @!p0 s5, $0x11;
	s7 =	sadd.s32 @!p0 $0x11B8D, s7;
	_ =	swait.eq @!p0 [sflag:s6], $0x1  }
0xb2: {  	s5 =	sor.u32 @!p0 s5, s7;
	[sflag:s6] =	ssyncadd.s32 @!p0 $0xFFFFFFFF  }
0xb3: {  	s25 =	simm.s32 $0x1B8E;
	s24 =	sld [smem:$0x3FFE];
	[sflag:s5] =	ssyncadd.remote.s32 @!p0 $0x1  }
0xb4: {  	s26 =	simm.s32 $execute0_lowered;
	[smem:$0x3FD2] =	sst s25  }
0xb5: {  	s6 =	sshll.u32 s26, $0x1;
	_ =	strace $0x80000049;
	[dreg:$0x1] =	wrdreg $0xFFFFFFFF  }
0xb6: {  	s28 =	simm.s32 $_size_execute0_lowered;
	s4 =	sadd.s32 s4, s6;
	[dreg:$0x0] =	wrdreg $0x0  }
0xb7: {  	s6 =	sshll.u32 s28, $0x1;
	[dreg:$0x2] =	wrdreg s4  }
0xb8: {  	[dreg:$0x3] =	wrdreg s6  }
0xb9: {  	[dreg:$0x4] =	wrdreg $0xC0  }
0xba: {  	_ =	task [dreg:s22], $0x5FFFF  }
0xbb: {  	[dreg:$0x1] =	wrdreg $0xFFFFFFFF  }
0xbc: {  	[dreg:$0x0] =	wrdreg $0x60  }
0xbd: {  	[dreg:$0x2] =	wrdreg s18  }
0xbe: {  	[dreg:$0x3] =	wrdreg s24  }
0xbf: {  	[dreg:$0x4] =	wrdreg $0x9  }
0xc0: {  	_ =	task.clear_ibuf [dreg:s22], $0x5FFFF;
	_ =	strace $0x90000049  }
0xc1: {  	s29 =	simm.s32 $0x9;
	_ =	strace $0x8000004B  }
0xc2: {  	_ =	swait.ge [sflag:s29], $0x1  }
0xc3: {  	[sflag:s29] =	ssyncadd.s32 $0xFFFFFFFF  }
0xc4: {  	_ =	strace $0x9000004B  }
0xc5: {  	_ =	sfence  }
0xc6: {  	s30 =	sld [smem:$0x0];
	_ =	sdelay $0x2  }
0xc7: {  	s31 =	sshll.u32 s1, $0xD;
	s1 =	sshrl.u32 s1, $0x2  }
0xc8: {  	s4 =	sand.u32 $0x4000, s31;
	s1 =	sadd.s32 s1, s30  }
0xc9: {  	s0 =	sor.u32 s4, s0;
	s1 =	sshll.u32 s1, $0x11  }
0xca: {  	s0 =	sor.u32 s1, s0  }
0xcb: {  	s0 =	sadd.s32 $0x8F2B, s0  }
0xcc: {  	[sflag:s0] =	ssyncadd.remote.s32 $0x1  }
0xcd: {  	_ =	sfence.sel $0xFFFF  }
0xce: {  	[dreg:$0x0] =	wrdreg $0xFFFFFFFF;
	(pc) =	sbr.abs _section_cstart, $3  }
0xcf: {  	[dreg:$0x1] =	wrdreg $0xFFFFFFFF  }
0xd0: {  	_ =	task.clear_ibuf [dreg:s22], $0x2FFFF;
	_ =	strace $0x9FFFFFFF  }
0xd1: {  	(tm) =	ssettm $0x7FFFFFFF  }
tec
execute0_lowered:
.L_overlay_start_1:
0x0: {  	(tag) =	ssettag $0x1  }
0x1: {  	s3 =	rddreg [dreg:$0x0]  }
0x2: {  	s1 =	srdreg.scid;
	s0 =	stileid.u32  }
0x3: {  	s20 =	rddreg [dreg:$0x1];
	s19 =	sand.u32 $0x1, s1;
	s4 =	sshll.u32 s0, $0x1  }
0x4: {  	s2 =	simm.s32 $0x0;
	s1 =	rddreg [dreg:$0x2];
	s21 =	sor.u32 s19, s4  }
0x5: {  	[smem:$0x7FF] =	sst s2;
	s22 =	sshll.u32 s21, $0x6  }
0x6: {  	_ =	strace $0x8000004A;
	s4 =	sadd.s32 s3, s22;
	s3 =	simm.s32 $0x2  }
0x7: {  	[tilespmem:s2], [sflag:$0x2] =	stream.linear.gather [hbm4b:s4+s2], $0x200, $0x38;
	[tilespmem:$0x4400] =	vst v63  }
0x8: {  	_ =	swait.ge [sflag:s3], $0x200  }
0x9: {  	s6 =	simm.s32 $0x80;
	[sflag:s3] =	ssyncset.done $0x0  }
0xa: {  	s7 =	simm.s32 $0x200;
	s5 =	sadd.s32 $0x30000, s20;
	[sflag:s3] =	ssyncadd.s32 $0xFFFFFE00  }
0xb: {  	[tilespmem:s7], [sflag:$0x1] =	stream.indirect.gather [hbm4b:s5+s6], $0x20, s2, s6, $0xb8;
	[tilespmem:$0x4400] =	vst v63  }
0xc: {  	s9 =	simm.s32 $0x4200;
	s8 =	sadd.s32 $0x400A00, s20  }
0xd: {  	[tilespmem:s9], [sflag:$0x1] =	stream.indirect.gather [hbm4b:s8+s6], $0x1, s2, s6, $0xb8;
	[tilespmem:$0x4400] =	vst v63  }
0xe: {  	s10 =	simm.s32 $0x1200  }
0xf: {  	[tilespmem:s10], [sflag:$0x1] =	stream.indirect.gather [hbm4b:s5+s6], $0x20, s6, s6, $0xb8;
	[tilespmem:$0x4400] =	vst v63  }
0x10: {  	s11 =	simm.s32 $0x4280  }
0x11: {  	[tilespmem:s11], [sflag:$0x1] =	stream.indirect.gather [hbm4b:s8+s6], $0x1, s6, s6, $0xb8;
	[tilespmem:$0x4400] =	vst v63  }
0x12: {  	s12 =	simm.s32 $0x100;
	s13 =	simm.s32 $0x2200  }
0x13: {  	[tilespmem:s13], [sflag:$0x1] =	stream.indirect.gather [hbm4b:s5+s6], $0x20, s12, s6, $0xb8;
	[tilespmem:$0x4400] =	vst v63  }
0x14: {  	s14 =	simm.s32 $0x4300  }
0x15: {  	[tilespmem:s14], [sflag:$0x1] =	stream.indirect.gather [hbm4b:s8+s6], $0x1, s12, s6, $0xb8;
	[tilespmem:$0x4400] =	vst v63  }
0x16: {  	s15 =	simm.s32 $0x180;
	s16 =	simm.s32 $0x3200  }
0x17: {  	[tilespmem:s16], [sflag:$0x1] =	stream.indirect.gather [hbm4b:s5+s6], $0x20, s15, s6, $0xb8;
	[tilespmem:$0x4400] =	vst v63  }
0x18: {  	s17 =	simm.s32 $0x4380;
	s18 =	simm.s32 $0x1  }
0x19: {  	[tilespmem:s17], [sflag:$0x1] =	stream.indirect.gather [hbm4b:s8+s6], $0x1, s15, s6, $0xb8;
	[tilespmem:$0x4400] =	vst v63  }
0x1a: {  	_ =	swait.ge [sflag:s18], $0x1000  }
0x1b: {  	[sflag:s18] =	ssyncset.done $0x0  }
0x1c: {  	[sflag:s18] =	ssyncadd.s32 $0xFFFFF000  }
0x1d: {  	_ =	swait.ge [sflag:s18], $0x80  }
0x1e: {  	[sflag:s18] =	ssyncset.done $0x0  }
0x1f: {  	[sflag:s18] =	ssyncadd.s32 $0xFFFFFF80  }
0x20: {  	_ =	swait.ge [sflag:s18], $0x1000  }
0x21: {  	[sflag:s18] =	ssyncset.done $0x0  }
0x22: {  	[sflag:s18] =	ssyncadd.s32 $0xFFFFF000  }
0x23: {  	_ =	swait.ge [sflag:s18], $0x80  }
0x24: {  	[sflag:s18] =	ssyncset.done $0x0  }
0x25: {  	[sflag:s18] =	ssyncadd.s32 $0xFFFFFF80  }
0x26: {  	_ =	swait.ge [sflag:s18], $0x1000  }
0x27: {  	[sflag:s18] =	ssyncset.done $0x0  }
0x28: {  	[sflag:s18] =	ssyncadd.s32 $0xFFFFF000  }
0x29: {  	_ =	swait.ge [sflag:s18], $0x80  }
0x2a: {  	[sflag:s18] =	ssyncset.done $0x0  }
0x2b: {  	[sflag:s18] =	ssyncadd.s32 $0xFFFFFF80  }
0x2c: {  	_ =	swait.ge [sflag:s18], $0x1000  }
0x2d: {  	[sflag:s18] =	ssyncset.done $0x0  }
0x2e: {  	s23 =	ssub.s32 $0x2, s19;
	s21 =	sshll.u32 s21, $0xB;
	[sflag:s18] =	ssyncadd.s32 $0xFFFFF000  }
0x2f: {  	s31 =	sshrl.u32 s23, $0x1;
	s21 =	sadd.s32 s21, s20;
	_ =	swait.ge [sflag:s18], $0x80  }
0x30: {  	s19 =	sadd.s32 $0x41F400, s21;
	s21 =	ssub.s32 s23, s31;
	[sflag:s18] =	ssyncset.done $0x0  }
0x31: {  	s21 =	smax.u32 s21, $0x1;
	[sflag:s18] =	ssyncadd.s32 $0xFFFFFF80  }
0x32: {  	[hbm4b:s19+s2] =	stream.linear.scatter [tilespmem:s7], [sflag:$0x2], $0x4000, $0x38;
	[tilespmem:$0x4400] =	vst v63  }
0x33: {  	p0 =	sne.s32 s21, $0x1;
	_ =	swait.ge [sflag:s3], $0x4000  }
.Ltmp0:
0x34: {  	s20 =	sadd.s32 s22, s20;
	[sflag:s3] =	ssyncset.done $0x0;
	(pc) =	sbr.rel @!p0 .LBB2_2-.Ltmp0, $4  }
0x35: {  	s20 =	sadd.s32 $0x42F400, s20;
	[sflag:s3] =	ssyncadd.s32 $0xFFFFC000  }
0x36: {  	[hbm4b:s20+s2] =	stream.linear.scatter [tilespmem:s9], [sflag:$0x2], $0x200, $0x38;
	[tilespmem:$0x4400] =	vst v63  }
0x37: {  	_ =	swait.ge [sflag:s3], $0x200  }
0x38: {  	s21 =	sadd.s32 $0xFFFFFFFF, s21;
	[sflag:s3] =	ssyncset.done $0x0  }
.LBB2_1:
0x39: {  	p0 =	sne.s32 s21, $0x1;
	s21 =	sadd.s32 $0xFFFFFFFF, s21;
	[sflag:s3] =	ssyncadd.s32 $0xFFFFFE00  }
0x3a: {  	[tilespmem:s2], [sflag:$0x2] =	stream.linear.gather [hbm4b:s4+s2], $0x200, $0x38;
	[tilespmem:$0x4400] =	vst v63  }
0x3b: {  	_ =	swait.ge [sflag:s3], $0x200  }
0x3c: {  	[sflag:s3] =	ssyncset.done $0x0  }
0x3d: {  	[sflag:s3] =	ssyncadd.s32 $0xFFFFFE00  }
0x3e: {  	[tilespmem:s7], [sflag:$0x1] =	stream.indirect.gather [hbm4b:s5+s6], $0x20, s2, s6, $0xb8;
	[tilespmem:$0x4400] =	vst v63  }
0x3f: {  	_ = 	snop  }
0x40: {  	[tilespmem:s9], [sflag:$0x1] =	stream.indirect.gather [hbm4b:s8+s6], $0x1, s2, s6, $0xb8;
	[tilespmem:$0x4400] =	vst v63  }
0x41: {  	_ = 	snop  }
0x42: {  	[tilespmem:s10], [sflag:$0x1] =	stream.indirect.gather [hbm4b:s5+s6], $0x20, s6, s6, $0xb8;
	[tilespmem:$0x4400] =	vst v63  }
0x43: {  	_ = 	snop  }
0x44: {  	[tilespmem:s11], [sflag:$0x1] =	stream.indirect.gather [hbm4b:s8+s6], $0x1, s6, s6, $0xb8;
	[tilespmem:$0x4400] =	vst v63  }
0x45: {  	_ = 	snop  }
0x46: {  	[tilespmem:s13], [sflag:$0x1] =	stream.indirect.gather [hbm4b:s5+s6], $0x20, s12, s6, $0xb8;
	[tilespmem:$0x4400] =	vst v63  }
0x47: {  	_ = 	snop  }
0x48: {  	[tilespmem:s14], [sflag:$0x1] =	stream.indirect.gather [hbm4b:s8+s6], $0x1, s12, s6, $0xb8;
	[tilespmem:$0x4400] =	vst v63  }
0x49: {  	_ = 	snop  }
0x4a: {  	[tilespmem:s16], [sflag:$0x1] =	stream.indirect.gather [hbm4b:s5+s6], $0x20, s15, s6, $0xb8;
	[tilespmem:$0x4400] =	vst v63  }
0x4b: {  	_ = 	snop  }
0x4c: {  	[tilespmem:s17], [sflag:$0x1] =	stream.indirect.gather [hbm4b:s8+s6], $0x1, s15, s6, $0xb8;
	[tilespmem:$0x4400] =	vst v63  }
0x4d: {  	_ =	swait.ge [sflag:s18], $0x1000  }
0x4e: {  	[sflag:s18] =	ssyncset.done $0x0  }
0x4f: {  	[sflag:s18] =	ssyncadd.s32 $0xFFFFF000  }
0x50: {  	_ =	swait.ge [sflag:s18], $0x80  }
0x51: {  	[sflag:s18] =	ssyncset.done $0x0  }
0x52: {  	[sflag:s18] =	ssyncadd.s32 $0xFFFFFF80  }
0x53: {  	_ =	swait.ge [sflag:s18], $0x1000  }
0x54: {  	[sflag:s18] =	ssyncset.done $0x0  }
0x55: {  	[sflag:s18] =	ssyncadd.s32 $0xFFFFF000  }
0x56: {  	_ =	swait.ge [sflag:s18], $0x80  }
0x57: {  	[sflag:s18] =	ssyncset.done $0x0  }
0x58: {  	[sflag:s18] =	ssyncadd.s32 $0xFFFFFF80  }
0x59: {  	_ =	swait.ge [sflag:s18], $0x1000  }
0x5a: {  	[sflag:s18] =	ssyncset.done $0x0  }
0x5b: {  	[sflag:s18] =	ssyncadd.s32 $0xFFFFF000  }
0x5c: {  	_ =	swait.ge [sflag:s18], $0x80  }
0x5d: {  	[sflag:s18] =	ssyncset.done $0x0  }
0x5e: {  	[sflag:s18] =	ssyncadd.s32 $0xFFFFFF80  }
0x5f: {  	_ =	swait.ge [sflag:s18], $0x1000  }
0x60: {  	[sflag:s18] =	ssyncset.done $0x0  }
0x61: {  	[sflag:s18] =	ssyncadd.s32 $0xFFFFF000  }
0x62: {  	_ =	swait.ge [sflag:s18], $0x80  }
0x63: {  	[sflag:s18] =	ssyncset.done $0x0  }
0x64: {  	[sflag:s18] =	ssyncadd.s32 $0xFFFFFF80  }
0x65: {  	[hbm4b:s19+s2] =	stream.linear.scatter [tilespmem:s7], [sflag:$0x2], $0x4000, $0x38;
	[tilespmem:$0x4400] =	vst v63  }
0x66: {  	_ =	swait.ge [sflag:s3], $0x4000  }
.Ltmp1:
0x67: {  	[sflag:s3] =	ssyncset.done $0x0;
	(pc) =	sbr.rel @p0 .LBB2_1-.Ltmp1, $4  }
0x68: {  	[sflag:s3] =	ssyncadd.s32 $0xFFFFC000  }
0x69: {  	[hbm4b:s20+s2] =	stream.linear.scatter [tilespmem:s9], [sflag:$0x2], $0x200, $0x38;
	[tilespmem:$0x4400] =	vst v63  }
0x6a: {  	_ =	swait.ge [sflag:s3], $0x200  }
0x6b: {  	[sflag:s3] =	ssyncset.done $0x0  }
.LBB2_2:
0x6c: {  	[sflag:s3] =	ssyncadd.s32 $0xFFFFFE00  }
0x6d: {  	_ =	sfence.sel $0x180000  }
0x6e: {  	[bflag:$0x0] =	sbarrier.arrive $0xFFFF  }
0x6f: {  	p0 =	sne.s32 s0, $0x0;
	_ =	strace $0x9000004A  }
0x70: {  	s0 =	sadd.s32 @!p0 $0x100000, s1;
	[bflag:$0x2] =	sbarrier.arrive $0xFFFF  }
0x71: {  	[sflag:s0] =	ssyncadd.tile.s32 @!p0 $0x1;
	_ =	shalt  }
.Lfunc_end2:
_tile_overlayer_lowered:
.L_overlay_start_2:
0x72: {  	(tag) =	ssettag $0x2  }
0x73: {  	s0 =	rddreg [dreg:$0x0];
	s2 =	stileid.u32  }
0x74: {  	s1 =	rddreg [dreg:$0x1];
	p0 =	sne.s32 s2, $0x0  }
0x75: {  	s3 =	rddreg [dreg:$0x2];
	[bflag:$0x3] =	sbarrier.arrive $0xFFFF;
	s2 =	simm.s32 @!p0 $0x1C02  }
0x76: {  	[timem:s3], [sflag:s2] =	dma.local @!p0 [hbm:s0], s1  }
0x77: {  	s0 =	simm.s32 @!p0 $0x2  }
0x78: {  	_ =	swait.ge @!p0 [sflag:s0], s1  }
0x79: {  	s1 =	ssub.s32 @!p0 $0x0, s1;
	[sflag:s0] =	ssyncset.done @!p0 $0x0  }
0x7a: {  	[sflag:s0] =	ssyncadd.s32 @!p0 s1  }
0x7b: {  	[bflag:$0x3] =	sbarrier.arrive $0xFFFF  }
0x7c: {  	_ =	shalt  }

// kernel: kernel.8.cloned.1.call-start
scs
__scs_entry_jumppad:
0x0: {  	(pc) =	sbr.rel $0x88, $3  }
0x1: {  	(tag) =	ssettag $0x0;
	lr =	simm.s32 $0x1  }
0x2: {  	[smem:$0x3F9B] =	sst lr;
	_ =	strace $0xD0000000  }
0x3: {  	_ = 	snop  }
0x4: {  	_ = 	snop  }
0x5: {  	_ = 	snop  }
0x6: {  	_ = 	snop  }
0x7: {  	_ = 	snop  }
__scs_overlays_trampoline_lowered:
0x8: {  	[smem:$0x3FAA] =	sst s0  }
0x9: {  	[smem:$0x3FAB] =	sst s1  }
0xa: {  	[smem:$0x3FAC] =	sst s2  }
0xb: {  	[smem:$0x3FAD] =	sst s3  }
0xc: {  	[smem:$0x3FAE] =	sst s4  }
0xd: {  	[smem:$0x3FAF] =	sst s5  }
0xe: {  	[smem:$0x3FB0] =	sst s6  }
0xf: {  	[smem:$0x3FB1] =	sst s7  }
0x10: {  	[smem:$0x3FB2] =	sst s8  }
0x11: {  	[smem:$0x3FB3] =	sst s9;
	s0 =	simm.s32 @!p0 $0x0  }
0x12: {  	s1 =	sld [smem:$0x3F99];
	s0 =	simm.s32 @p0 $0x1  }
0x13: {  	[smem:$0x3FB4] =	sst s0;
	s0 =	simm.s32 @!p1 $0x0  }
0x14: {  	s2 =	sld [smem:$0x3F98];
	s0 =	simm.s32 @p1 $0x1  }
0x15: {  	[smem:$0x3FB5] =	sst s0;
	s0 =	simm.s32 @!p2 $0x0  }
0x16: {  	s3 =	sld [smem:$0x3FDB];
	s0 =	simm.s32 @p2 $0x1  }
0x17: {  	s4 =	simm.s32 $0x1BF5;
	[smem:$0x3FB7] =	sst s0  }
0x18: {  	s0 =	sld [smem:$0x3F9A];
	_ =	swait.ge [sflag:s4], $0x0  }
0x19: {  	s7 =	sld [smem:$0x3F9B]  }
0x1a: {  	s8 =	sadd.s32 $0xFFFFE003, lr  }
0x1b: {  	s9 =	sadd.s32 $0xFFFFFEF7, lr;
	s5 =	simm.s32 $0xFFFFFFFF;
	p2 =	slt.u32 s8, $0xFFFFF086  }
0x1c: {  	p1 =	slt.u32 s9, $0xF7A;
	s5 =	simm.s32 @!p2 $0x0  }
0x1d: {  	s5 =	simm.s32 @p1 $0x1;
	p0 =	seq.s32 s7, s2  }
0x1e: {  	s7 =	smul.u32 @!p0 $0xF7A, s2;
	p2 =	seq.s32 @!p0 s5, $0x0  }
0x1f: {  	s9 =	smul.u32 $0xF7A, s1;
	s8 =	simm.s32 @!p0 $0x1BF5;
	p2 =	por !p2, p0  }
0x20: {  	[sflag:s8] =	ssyncset.s32 @!p0 $0xFFFFF086;
	s6 =	sadd.s32 @!p0 s3, s7;
	s7 =	simm.s32 @!p0 $0x108  }
0x21: {  	s3 =	sadd.s32 s3, s9;
	s6 =	sadd.s32 @!p0 $0x88, s6;
	s7 =	simm.s32 @p2 $0x1082  }
0x22: {  	[simem:s7], [sflag:s8] =	dma.local @!p0 [hbm:s6], $0xF7A  }
0x23: {  	s9 =	sor.u32 $0xD0000000, s2;
	s6 =	simm.s32 $0x108;
	_ =	swait.ge @!p0 [sflag:s8], $0x0  }
0x24: {  	s3 =	sadd.s32 $0x88, s3;
	s6 =	simm.s32 @!p1 $0x1082;
	[sflag:s4] =	ssyncset.s32 $0xFFFFF086  }
0x25: {  	[simem:s6], [sflag:s4] =	dma.local [hbm:s3], $0xF7A  }
0x26: {  	[smem:$0x3F9B] =	sst s1;
	(tag) =	ssettag s2;
	_ =	strace s9  }
0x27: {  	s1 =	sld [smem:$0x3FAB]  }
0x28: {  	s2 =	sld [smem:$0x3FAC]  }
0x29: {  	s4 =	sld [smem:$0x3FAE]  }
0x2a: {  	p0 =	seq.s32 s5, $0x0;
	s5 =	sld [smem:$0x3FAF]  }
0x2b: {  	s6 =	sld [smem:$0x3FB0]  }
0x2c: {  	s7 =	sld [smem:$0x3FB1]  }
0x2d: {  	s3 =	simm.s32 $0x108;
	s8 =	sld [smem:$0x3FB2]  }
0x2e: {  	s3 =	simm.s32 @!p0 $0x1082;
	s9 =	sld [smem:$0x3FB3]  }
0x2f: {  	lr =	sadd.s32 s0, s3;
	s0 =	sld [smem:$0x3FAA]  }
0x30: {  	s3 =	sld [smem:$0x3FAD]  }
0x31: {  	[smem:$0x3FB6] =	sst s10  }
0x32: {  	s10 =	sld [smem:$0x3FB4];
	_ =	sdelay $0x3  }
0x33: {  	p0 =	seq.s32 s10, $0x1;
	s10 =	sld [smem:$0x3FB6];
	_ =	sdelay $0x3  }
0x34: {  	[smem:$0x3FB6] =	sst s10  }
0x35: {  	s10 =	sld [smem:$0x3FB5];
	_ =	sdelay $0x3  }
0x36: {  	p1 =	seq.s32 s10, $0x1;
	s10 =	sld [smem:$0x3FB6];
	_ =	sdelay $0x3  }
0x37: {  	[smem:$0x3FB6] =	sst s10  }
0x38: {  	s10 =	sld [smem:$0x3FB7]  }
0x39: {  	_ = 	snop;
	(pc) =	sbr.ind lr, $3  }
0x3a: {  	_ = 	snop  }
0x3b: {  	_ = 	snop  }
0x3c: {  	p2 =	seq.s32 s10, $0x1;
	s10 =	sld [smem:$0x3FB6]  }
0x3d: {  	_ =	shalt  }
0x3e: {  	_ =	shalt  }
0x3f: {  	_ =	shalt  }
0x40: {  	_ =	shalt  }
0x41: {  	_ =	shalt  }
0x42: {  	_ =	shalt  }
0x43: {  	_ =	shalt  }
0x44: {  	_ =	shalt  }
0x45: {  	_ =	shalt  }
0x46: {  	_ =	shalt  }
0x47: {  	_ =	shalt  }
0x48: {  	_ =	shalt  }
0x49: {  	_ =	shalt  }
0x4a: {  	_ =	shalt  }
0x4b: {  	_ =	shalt  }
0x4c: {  	_ =	shalt  }
0x4d: {  	_ =	shalt  }
0x4e: {  	_ =	shalt  }
0x4f: {  	_ =	shalt  }
0x50: {  	_ =	shalt  }
0x51: {  	_ =	shalt  }
0x52: {  	_ =	shalt  }
0x53: {  	_ =	shalt  }
0x54: {  	_ =	shalt  }
0x55: {  	_ =	shalt  }
0x56: {  	_ =	shalt  }
0x57: {  	_ =	shalt  }
0x58: {  	_ =	shalt  }
0x59: {  	_ =	shalt  }
0x5a: {  	_ =	shalt  }
0x5b: {  	_ =	shalt  }
0x5c: {  	_ =	shalt  }
0x5d: {  	_ =	shalt  }
0x5e: {  	_ =	shalt  }
0x5f: {  	_ =	shalt  }
0x60: {  	_ =	shalt  }
0x61: {  	_ =	shalt  }
0x62: {  	_ =	shalt  }
0x63: {  	_ =	shalt  }
0x64: {  	_ =	shalt  }
0x65: {  	_ =	shalt  }
0x66: {  	_ =	shalt  }
0x67: {  	_ =	shalt  }
0x68: {  	_ =	shalt  }
0x69: {  	_ =	shalt  }
0x6a: {  	_ =	shalt  }
0x6b: {  	_ =	shalt  }
0x6c: {  	_ =	shalt  }
0x6d: {  	_ =	shalt  }
0x6e: {  	_ =	shalt  }
0x6f: {  	_ =	shalt  }
0x70: {  	_ =	shalt  }
0x71: {  	_ =	shalt  }
0x72: {  	_ =	shalt  }
0x73: {  	_ =	shalt  }
0x74: {  	_ =	shalt  }
0x75: {  	_ =	shalt  }
0x76: {  	_ =	shalt  }
0x77: {  	_ =	shalt  }
0x78: {  	_ =	shalt  }
0x79: {  	_ =	shalt  }
0x7a: {  	_ =	shalt  }
0x7b: {  	_ =	shalt  }
0x7c: {  	_ =	shalt  }
0x7d: {  	_ =	shalt  }
0x7e: {  	_ =	shalt  }
0x7f: {  	_ =	shalt  }
0x80: {  	_ =	shalt  }
0x81: {  	_ =	shalt  }
0x82: {  	_ =	shalt  }
0x83: {  	_ =	shalt  }
0x84: {  	_ =	shalt  }
0x85: {  	_ =	shalt  }
0x86: {  	_ =	shalt  }
0x87: {  	_ =	shalt  }
.Lfunc_end0:
.L_simem_size_0:
called_computation.1_lowered:
.L_overlay_start_0:
0x88: {  	s2 =	sld [smem:$0x3FD9]  }
0x89: {  	s3 =	sld [smem:$0x3FFE];
	_ =	sdelay $0x1  }
0x8a: {  	s1 =	srdreg.scid  }
0x8b: {  	s0 =	sand.u32 $0x1, s1  }
0x8c: {  	s17 =	sshll.u32 s0, $0xA;
	s2 =	sadd.s32 s3, s2  }
0x8d: {  	s2 =	sadd.s32 s2, s17  }
0x8e: {  	[smem:$0x3FC2] =	sst s2  }
0x8f: {  	_ = 	snop  }
0x90: {  	s2 =	sld [smem:$0x3FC8];
	(tm) =	ssettm $0x1  }
0x91: {  	s18 =	sld [smem:$0x3FFB];
	_ =	sdelay $0x3  }
0x92: {  	_ =	strace s18  }
0x93: {  	s3 =	sld [smem:$0x3FFC];
	_ =	sdelay $0x3  }
0x94: {  	_ =	strace s3  }
0x95: {  	s3 =	sld [smem:$0x3FFD];
	_ =	sdelay $0x3  }
0x96: {  	_ =	strace s3  }
0x97: {  	_ =	strace $0x8FFFFFFF  }
0x98: {  	s19 =	sld [smem:$0x3FDB];
	_ =	sdelay $0x1  }
0x99: {  	s4 =	simm.s32 $_scs_section_size  }
0x9a: {  	s5 =	simm.s32 $_size__tile_overlayer_lowered;
	s6 =	simm.s32 $_tile_overlayer_lowered  }
0x9b: {  	s22 =	simm.s32 $0x1BFF;
	s21 =	sshll.u32 s6, $0x1;
	s3 =	sadd.s32 s4, s19  }
0x9c: {  	s7 =	simm.s32 $0x0;
	s20 =	sshll.u32 s5, $0x1;
	s5 =	sadd.s32 s21, s3  }
0x9d: {  	[timem:s7], [sflag:s22] =	dma.local [hbm:s5], s20  }
0x9e: {  	_ =	swait.ge [sflag:s22], s20  }
0x9f: {  	s4 =	ssub.s32 $0x0, s20;
	[sflag:s22] =	ssyncset.done $0x0  }
0xa0: {  	[sflag:s22] =	ssyncadd.s32 s4;
	_ =	sdelay $0x1  }
0xa1: {  	s23 =	simm.s32 $0x1B8B  }
0xa2: {  	_ =	swait.ge [sflag:s23], $0x1  }
0xa3: {  	[sflag:s23] =	ssyncset.done $0x0  }
0xa4: {  	s25 =	simm.s32 $0x1B8E;
	s24 =	sld [smem:$0x3FFE];
	[sflag:s23] =	ssyncadd.s32 $0xFFFFFFFF  }
0xa5: {  	s26 =	simm.s32 $execute0_lowered;
	[smem:$0x3FD2] =	sst s25  }
0xa6: {  	s5 =	sshll.u32 s26, $0x1;
	_ =	strace $0x80000046;
	[dreg:$0x1] =	wrdreg $0xFFFFFFFF  }
0xa7: {  	s28 =	simm.s32 $_size_execute0_lowered;
	s3 =	sadd.s32 s3, s5;
	[dreg:$0x0] =	wrdreg $0x0  }
0xa8: {  	s5 =	sshll.u32 s28, $0x1;
	[dreg:$0x2] =	wrdreg s3  }
0xa9: {  	[dreg:$0x3] =	wrdreg s5  }
0xaa: {  	[dreg:$0x4] =	wrdreg $0xC0  }
0xab: {  	_ =	task [dreg:s7], $0x5FFFF  }
0xac: {  	[dreg:$0x1] =	wrdreg $0xFFFFFFFF  }
0xad: {  	[dreg:$0x0] =	wrdreg $0x60  }
0xae: {  	[dreg:$0x2] =	wrdreg s2  }
0xaf: {  	[dreg:$0x3] =	wrdreg s24  }
0xb0: {  	[dreg:$0x4] =	wrdreg $0xA  }
0xb1: {  	_ =	task.clear_ibuf [dreg:s7], $0x5FFFF;
	_ =	strace $0x90000046  }
0xb2: {  	s29 =	simm.s32 $0xA;
	_ =	strace $0x80000048  }
0xb3: {  	_ =	swait.ge [sflag:s29], $0x1  }
0xb4: {  	[sflag:s29] =	ssyncadd.s32 $0xFFFFFFFF  }
0xb5: {  	_ =	strace $0x90000048  }
0xb6: {  	_ =	sfence  }
0xb7: {  	s30 =	sld [smem:$0x0];
	_ =	sdelay $0x2  }
0xb8: {  	s31 =	sshll.u32 s1, $0xD;
	s1 =	sshrl.u32 s1, $0x2  }
0xb9: {  	s3 =	sand.u32 $0x4000, s31;
	s1 =	sadd.s32 s1, s30  }
0xba: {  	s0 =	sor.u32 s3, s0;
	s1 =	sshll.u32 s1, $0x11  }
0xbb: {  	s0 =	sor.u32 s1, s0  }
0xbc: {  	s0 =	sadd.s32 $0x8F2B, s0  }
0xbd: {  	[sflag:s0] =	ssyncadd.remote.s32 $0x1  }
0xbe: {  	_ =	sfence.sel $0xFFFF  }
0xbf: {  	[dreg:$0x0] =	wrdreg $0xFFFFFFFF;
	(pc) =	sbr.abs _section_cstart, $3  }
0xc0: {  	[dreg:$0x1] =	wrdreg $0xFFFFFFFF  }
0xc1: {  	_ =	task.clear_ibuf [dreg:s7], $0x2FFFF;
	_ =	strace $0x9FFFFFFF  }
0xc2: {  	(tm) =	ssettm $0x7FFFFFFF  }
0xc3: {  	_ =	shalt  }
tec
execute0_lowered:
.L_overlay_start_1:
0x0: {  	(tag) =	ssettag $0x1  }
0x1: {  	s3 =	rddreg [dreg:$0x0]  }
0x2: {  	s1 =	srdreg.scid;
	s0 =	stileid.u32  }
0x3: {  	s20 =	rddreg [dreg:$0x1];
	s19 =	sand.u32 $0x1, s1;
	s4 =	sshll.u32 s0, $0x1  }
0x4: {  	s2 =	simm.s32 $0x0;
	s1 =	rddreg [dreg:$0x2];
	s21 =	sor.u32 s19, s4  }
0x5: {  	[smem:$0x7FF] =	sst s2;
	s22 =	sshll.u32 s21, $0x6  }
0x6: {  	_ =	strace $0x80000047;
	s4 =	sadd.s32 s3, s22;
	s3 =	simm.s32 $0x2  }
0x7: {  	[tilespmem:s2], [sflag:$0x2] =	stream.linear.gather [hbm4b:s4+s2], $0x200, $0x38;
	[tilespmem:$0x4400] =	vst v63  }
0x8: {  	_ =	swait.ge [sflag:s3], $0x200  }
0x9: {  	s6 =	simm.s32 $0x80;
	[sflag:s3] =	ssyncset.done $0x0  }
0xa: {  	s7 =	simm.s32 $0x200;
	s5 =	sadd.s32 $0xF43200, s20;
	[sflag:s3] =	ssyncadd.s32 $0xFFFFFE00  }
0xb: {  	[tilespmem:s7], [sflag:$0x1] =	stream.indirect.gather [hbm4b:s5+s6], $0x20, s2, s6, $0xb8;
	[tilespmem:$0x4400] =	vst v63  }
0xc: {  	s9 =	simm.s32 $0x4200;
	s8 =	sadd.s32 $0xE00, s20  }
0xd: {  	[tilespmem:s9], [sflag:$0x1] =	stream.indirect.gather [hbm4b:s8+s6], $0x1, s2, s6, $0xb8;
	[tilespmem:$0x4400] =	vst v63  }
0xe: {  	s10 =	simm.s32 $0x1200  }
0xf: {  	[tilespmem:s10], [sflag:$0x1] =	stream.indirect.gather [hbm4b:s5+s6], $0x20, s6, s6, $0xb8;
	[tilespmem:$0x4400] =	vst v63  }
0x10: {  	s11 =	simm.s32 $0x4280  }
0x11: {  	[tilespmem:s11], [sflag:$0x1] =	stream.indirect.gather [hbm4b:s8+s6], $0x1, s6, s6, $0xb8;
	[tilespmem:$0x4400] =	vst v63  }
0x12: {  	s12 =	simm.s32 $0x100;
	s13 =	simm.s32 $0x2200  }
0x13: {  	[tilespmem:s13], [sflag:$0x1] =	stream.indirect.gather [hbm4b:s5+s6], $0x20, s12, s6, $0xb8;
	[tilespmem:$0x4400] =	vst v63  }
0x14: {  	s14 =	simm.s32 $0x4300  }
0x15: {  	[tilespmem:s14], [sflag:$0x1] =	stream.indirect.gather [hbm4b:s8+s6], $0x1, s12, s6, $0xb8;
	[tilespmem:$0x4400] =	vst v63  }
0x16: {  	s15 =	simm.s32 $0x180;
	s16 =	simm.s32 $0x3200  }
0x17: {  	[tilespmem:s16], [sflag:$0x1] =	stream.indirect.gather [hbm4b:s5+s6], $0x20, s15, s6, $0xb8;
	[tilespmem:$0x4400] =	vst v63  }
0x18: {  	s17 =	simm.s32 $0x4380;
	s18 =	simm.s32 $0x1  }
0x19: {  	[tilespmem:s17], [sflag:$0x1] =	stream.indirect.gather [hbm4b:s8+s6], $0x1, s15, s6, $0xb8;
	[tilespmem:$0x4400] =	vst v63  }
0x1a: {  	_ =	swait.ge [sflag:s18], $0x1000  }
0x1b: {  	[sflag:s18] =	ssyncset.done $0x0  }
0x1c: {  	[sflag:s18] =	ssyncadd.s32 $0xFFFFF000  }
0x1d: {  	_ =	swait.ge [sflag:s18], $0x80  }
0x1e: {  	[sflag:s18] =	ssyncset.done $0x0  }
0x1f: {  	[sflag:s18] =	ssyncadd.s32 $0xFFFFFF80  }
0x20: {  	_ =	swait.ge [sflag:s18], $0x1000  }
0x21: {  	[sflag:s18] =	ssyncset.done $0x0  }
0x22: {  	[sflag:s18] =	ssyncadd.s32 $0xFFFFF000  }
0x23: {  	_ =	swait.ge [sflag:s18], $0x80  }
0x24: {  	[sflag:s18] =	ssyncset.done $0x0  }
0x25: {  	[sflag:s18] =	ssyncadd.s32 $0xFFFFFF80  }
0x26: {  	_ =	swait.ge [sflag:s18], $0x1000  }
0x27: {  	[sflag:s18] =	ssyncset.done $0x0  }
0x28: {  	[sflag:s18] =	ssyncadd.s32 $0xFFFFF000  }
0x29: {  	_ =	swait.ge [sflag:s18], $0x80  }
0x2a: {  	[sflag:s18] =	ssyncset.done $0x0  }
0x2b: {  	[sflag:s18] =	ssyncadd.s32 $0xFFFFFF80  }
0x2c: {  	_ =	swait.ge [sflag:s18], $0x1000  }
0x2d: {  	[sflag:s18] =	ssyncset.done $0x0  }
0x2e: {  	s23 =	ssub.s32 $0x2, s19;
	s21 =	sshll.u32 s21, $0xB;
	[sflag:s18] =	ssyncadd.s32 $0xFFFFF000  }
0x2f: {  	s31 =	sshrl.u32 s23, $0x1;
	s21 =	sadd.s32 s21, s20;
	_ =	swait.ge [sflag:s18], $0x80  }
0x30: {  	s19 =	sadd.s32 $0x1F800, s21;
	s21 =	ssub.s32 s23, s31;
	[sflag:s18] =	ssyncset.done $0x0  }
0x31: {  	s21 =	smax.u32 s21, $0x1;
	[sflag:s18] =	ssyncadd.s32 $0xFFFFFF80  }
0x32: {  	[hbm4b:s19+s2] =	stream.linear.scatter [tilespmem:s7], [sflag:$0x2], $0x4000, $0x38;
	[tilespmem:$0x4400] =	vst v63  }
0x33: {  	p0 =	sne.s32 s21, $0x1;
	_ =	swait.ge [sflag:s3], $0x4000  }
.Ltmp0:
0x34: {  	s20 =	sadd.s32 s22, s20;
	[sflag:s3] =	ssyncset.done $0x0;
	(pc) =	sbr.rel @!p0 .LBB2_2-.Ltmp0, $4  }
0x35: {  	s20 =	sadd.s32 $0x2F800, s20;
	[sflag:s3] =	ssyncadd.s32 $0xFFFFC000  }
0x36: {  	[hbm4b:s20+s2] =	stream.linear.scatter [tilespmem:s9], [sflag:$0x2], $0x200, $0x38;
	[tilespmem:$0x4400] =	vst v63  }
0x37: {  	_ =	swait.ge [sflag:s3], $0x200  }
0x38: {  	s21 =	sadd.s32 $0xFFFFFFFF, s21;
	[sflag:s3] =	ssyncset.done $0x0  }
.LBB2_1:
0x39: {  	p0 =	sne.s32 s21, $0x1;
	s21 =	sadd.s32 $0xFFFFFFFF, s21;
	[sflag:s3] =	ssyncadd.s32 $0xFFFFFE00  }
0x3a: {  	[tilespmem:s2], [sflag:$0x2] =	stream.linear.gather [hbm4b:s4+s2], $0x200, $0x38;
	[tilespmem:$0x4400] =	vst v63  }
0x3b: {  	_ =	swait.ge [sflag:s3], $0x200  }
0x3c: {  	[sflag:s3] =	ssyncset.done $0x0  }
0x3d: {  	[sflag:s3] =	ssyncadd.s32 $0xFFFFFE00  }
0x3e: {  	[tilespmem:s7], [sflag:$0x1] =	stream.indirect.gather [hbm4b:s5+s6], $0x20, s2, s6, $0xb8;
	[tilespmem:$0x4400] =	vst v63  }
0x3f: {  	_ = 	snop  }
0x40: {  	[tilespmem:s9], [sflag:$0x1] =	stream.indirect.gather [hbm4b:s8+s6], $0x1, s2, s6, $0xb8;
	[tilespmem:$0x4400] =	vst v63  }
0x41: {  	_ = 	snop  }
0x42: {  	[tilespmem:s10], [sflag:$0x1] =	stream.indirect.gather [hbm4b:s5+s6], $0x20, s6, s6, $0xb8;
	[tilespmem:$0x4400] =	vst v63  }
0x43: {  	_ = 	snop  }
0x44: {  	[tilespmem:s11], [sflag:$0x1] =	stream.indirect.gather [hbm4b:s8+s6], $0x1, s6, s6, $0xb8;
	[tilespmem:$0x4400] =	vst v63  }
0x45: {  	_ = 	snop  }
0x46: {  	[tilespmem:s13], [sflag:$0x1] =	stream.indirect.gather [hbm4b:s5+s6], $0x20, s12, s6, $0xb8;
	[tilespmem:$0x4400] =	vst v63  }
0x47: {  	_ = 	snop  }
0x48: {  	[tilespmem:s14], [sflag:$0x1] =	stream.indirect.gather [hbm4b:s8+s6], $0x1, s12, s6, $0xb8;
	[tilespmem:$0x4400] =	vst v63  }
0x49: {  	_ = 	snop  }
0x4a: {  	[tilespmem:s16], [sflag:$0x1] =	stream.indirect.gather [hbm4b:s5+s6], $0x20, s15, s6, $0xb8;
	[tilespmem:$0x4400] =	vst v63  }
0x4b: {  	_ = 	snop  }
0x4c: {  	[tilespmem:s17], [sflag:$0x1] =	stream.indirect.gather [hbm4b:s8+s6], $0x1, s15, s6, $0xb8;
	[tilespmem:$0x4400] =	vst v63  }
0x4d: {  	_ =	swait.ge [sflag:s18], $0x1000  }
0x4e: {  	[sflag:s18] =	ssyncset.done $0x0  }
0x4f: {  	[sflag:s18] =	ssyncadd.s32 $0xFFFFF000  }
0x50: {  	_ =	swait.ge [sflag:s18], $0x80  }
0x51: {  	[sflag:s18] =	ssyncset.done $0x0  }
0x52: {  	[sflag:s18] =	ssyncadd.s32 $0xFFFFFF80  }
0x53: {  	_ =	swait.ge [sflag:s18], $0x1000  }
0x54: {  	[sflag:s18] =	ssyncset.done $0x0  }
0x55: {  	[sflag:s18] =	ssyncadd.s32 $0xFFFFF000  }
0x56: {  	_ =	swait.ge [sflag:s18], $0x80  }
0x57: {  	[sflag:s18] =	ssyncset.done $0x0  }
0x58: {  	[sflag:s18] =	ssyncadd.s32 $0xFFFFFF80  }
0x59: {  	_ =	swait.ge [sflag:s18], $0x1000  }
0x5a: {  	[sflag:s18] =	ssyncset.done $0x0  }
0x5b: {  	[sflag:s18] =	ssyncadd.s32 $0xFFFFF000  }
0x5c: {  	_ =	swait.ge [sflag:s18], $0x80  }
0x5d: {  	[sflag:s18] =	ssyncset.done $0x0  }
0x5e: {  	[sflag:s18] =	ssyncadd.s32 $0xFFFFFF80  }
0x5f: {  	_ =	swait.ge [sflag:s18], $0x1000  }
0x60: {  	[sflag:s18] =	ssyncset.done $0x0  }
0x61: {  	[sflag:s18] =	ssyncadd.s32 $0xFFFFF000  }
0x62: {  	_ =	swait.ge [sflag:s18], $0x80  }
0x63: {  	[sflag:s18] =	ssyncset.done $0x0  }
0x64: {  	[sflag:s18] =	ssyncadd.s32 $0xFFFFFF80  }
0x65: {  	[hbm4b:s19+s2] =	stream.linear.scatter [tilespmem:s7], [sflag:$0x2], $0x4000, $0x38;
	[tilespmem:$0x4400] =	vst v63  }
0x66: {  	_ =	swait.ge [sflag:s3], $0x4000  }
.Ltmp1:
0x67: {  	[sflag:s3] =	ssyncset.done $0x0;
	(pc) =	sbr.rel @p0 .LBB2_1-.Ltmp1, $4  }
0x68: {  	[sflag:s3] =	ssyncadd.s32 $0xFFFFC000  }
0x69: {  	[hbm4b:s20+s2] =	stream.linear.scatter [tilespmem:s9], [sflag:$0x2], $0x200, $0x38;
	[tilespmem:$0x4400] =	vst v63  }
0x6a: {  	_ =	swait.ge [sflag:s3], $0x200  }
0x6b: {  	[sflag:s3] =	ssyncset.done $0x0  }
.LBB2_2:
0x6c: {  	[sflag:s3] =	ssyncadd.s32 $0xFFFFFE00  }
0x6d: {  	_ =	sfence.sel $0x180000  }
0x6e: {  	[bflag:$0x0] =	sbarrier.arrive $0xFFFF  }
0x6f: {  	p0 =	sne.s32 s0, $0x0;
	_ =	strace $0x90000047  }
0x70: {  	s0 =	sadd.s32 @!p0 $0x100000, s1;
	[bflag:$0x2] =	sbarrier.arrive $0xFFFF  }
0x71: {  	[sflag:s0] =	ssyncadd.tile.s32 @!p0 $0x1;
	_ =	shalt  }
.Lfunc_end2:
_tile_overlayer_lowered:
.L_overlay_start_2:
0x72: {  	(tag) =	ssettag $0x2  }
0x73: {  	s0 =	rddreg [dreg:$0x0];
	s2 =	stileid.u32  }
0x74: {  	s1 =	rddreg [dreg:$0x1];
	p0 =	sne.s32 s2, $0x0  }
0x75: {  	s3 =	rddreg [dreg:$0x2];
	[bflag:$0x3] =	sbarrier.arrive $0xFFFF;
	s2 =	simm.s32 @!p0 $0x1C02  }
0x76: {  	[timem:s3], [sflag:s2] =	dma.local @!p0 [hbm:s0], s1  }
0x77: {  	s0 =	simm.s32 @!p0 $0x2  }
0x78: {  	_ =	swait.ge @!p0 [sflag:s0], s1  }
0x79: {  	s1 =	ssub.s32 @!p0 $0x0, s1;
	[sflag:s0] =	ssyncset.done @!p0 $0x0  }
0x7a: {  	[sflag:s0] =	ssyncadd.s32 @!p0 s1  }
0x7b: {  	[bflag:$0x3] =	sbarrier.arrive $0xFFFF  }
0x7c: {  	_ =	shalt  }

</sc_bundles>
